<compile_context>
chip_gen: v7x
topology: tpu7x:2x2x1
jax: 0.10.2.dev20260603
libtpu: 0.0.44.dev20260713+nightly
codegen_flags: <defaults>
</compile_context>

<pallas_src>
import functools

import jax
import jax.numpy as jnp
from jax import lax
from jax.experimental import pallas as pl
from jax.experimental.pallas import tpu as pltpu
from jax.experimental.pallas import tpu_sc as plsc

NC = 2
NS = 16
NW = NC * NS
CHUNK = 128


@functools.partial(jax.jit, static_argnums=(2, 3))
def _gather_rows(ids_r, table, n_chunks, d):
    total = NW * n_chunks * CHUNK

    NBUF = 5
    LOOK = NBUF - 2
    assert n_chunks % NBUF == 0 and n_chunks // NBUF >= 3

    @functools.partial(
        pl.kernel,
        mesh=plsc.VectorSubcoreMesh(
            core_axis_name="c", subcore_axis_name="s",
            num_cores=NC, num_subcores=NS,
        ),
        out_type=jax.ShapeDtypeStruct((total, d), jnp.float32),
        scratch_types=[
            pltpu.VMEM((n_chunks, CHUNK), jnp.int32),
            pltpu.VMEM((NBUF, CHUNK, d), jnp.float32),
            pltpu.SemaphoreType.DMA,
            pltpu.SemaphoreType.DMA,
        ],
        compiler_params=pltpu.CompilerParams(use_tc_tiling_on_sc=False),
    )
    def body(ids_hbm, table_hbm, out_hbm, idx_v, rows_v, gsem, ssem):
        wid = lax.axis_index("s") * NC + lax.axis_index("c")
        pltpu.sync_copy(ids_hbm.at[wid], idx_v)
        base = wid * (n_chunks * CHUNK)

        def g_copy(slot, j):
            return pltpu.make_async_copy(
                table_hbm.at[idx_v.at[j]], rows_v.at[slot], gsem)

        def s_copy(slot, j):
            return pltpu.make_async_copy(
                rows_v.at[slot], out_hbm.at[pl.ds(base + j * CHUNK, CHUNK)],
                ssem)

        for b in range(LOOK):
            g_copy(b, b).start()

        def block(j0, first, last):
            for b in range(NBUF):
                j = j0 + b
                g_copy(b, j).wait()
                s_copy(b, j).start()
                if not (last and b >= NBUF - LOOK):
                    slot2 = (b + LOOK) % NBUF
                    if not (first and b < NBUF - LOOK):
                        s_copy(slot2, j - (NBUF - LOOK)).wait()
                    g_copy(slot2, j + LOOK).start()

        block(0, True, False)
        if n_chunks // NBUF > 2:
            def mid(t, carry):
                block(t * NBUF, False, False)
                return carry
            lax.fori_loop(1, n_chunks // NBUF - 1, mid, 0)
        block(n_chunks - NBUF, False, True)

        for j in range(n_chunks - NBUF, n_chunks):
            s_copy(j % NBUF, j).wait()

    return body(ids_r, table)


def kernel(ids, table):
    b, l = ids.shape
    v, d = table.shape
    total = b * l
    ids_flat = ids.reshape(-1).astype(jnp.int32)

    per_w = -(-total // NW)
    n_chunks = -(-per_w // CHUNK)
    padded = NW * n_chunks * CHUNK
    if padded != total:
        ids_flat = jnp.pad(ids_flat, (0, padded - total))
    ids_r = ids_flat.reshape(NW, n_chunks, CHUNK)

    out = _gather_rows(ids_r, table, n_chunks, d)
    return out[:total].reshape(b, l, d)

# --- scband reference (transcript-rebuilt; emitter-appended) ---
"""Pipeline reference for scband-embedding-4956392259905 (READ-ONLY COPY).

The authoritative reference and input builder live on the scoring server;
editing this copy changes nothing except your own understanding.
"""

import jax, jax.numpy as jnp
import numpy as np

VOCAB = 100000
DIM = 64
B = 4096
L = 50


def setup_inputs(seed: int = 0) -> dict:
    key = jax.random.key(seed)
    k1, k2 = jax.random.split(key)
    ids = jax.random.randint(k1, (B, L), 0, VOCAB)
    # RandomNormal default initializer (mean=0, stddev=0.05) for the dynamic
    # embedding parameter, materialized as a dense table of size VOCAB x DIM.
    table = jax.random.normal(k2, (VOCAB, DIM), dtype=jnp.float32) * 0.05
    return {"ids": ids, "table": table}


def reference(ids, table):
    # Faithful translation of de.keras.layers.Embedding.call with
    # with_unique=True: unique the flattened ids, lookup unique embeddings,
    # then gather back with the inverse indices and restore the id shape.
    flat = ids.reshape(-1)
    uniq, inv = jnp.unique(flat, return_inverse=True, size=flat.shape[0], fill_value=0)
    emb_uniq = jnp.take(table, uniq, axis=0)
    emb_flat = jnp.take(emb_uniq, inv.reshape(-1), axis=0)
    out = emb_flat.reshape(ids.shape + (table.shape[1],))
    return out

if __name__ == "__main__":
    import jax
    _d = setup_inputs()
    print(jax.jit(kernel)(*tuple(_d.values())))

</pallas_src>

<mosaic_0001>
#map = affine_map<(d0, d1) -> (0, 0, 0)>
#map1 = affine_map<(d0, d1) -> (0, 0)>
module attributes {stable_mosaic.version = 14 : i64} {
  func.func @body(%arg0: i32, %arg1: i32, %arg2: memref<32x50x128xi32, #tpu.memory_space<hbm>>, %arg3: memref<100000x64xf32, #tpu.memory_space<hbm>>, %arg4: memref<204800x64xf32, #tpu.memory_space<hbm>>, %arg5: memref<50x128xi32, #tpu.memory_space<vmem>>, %arg6: memref<5x128x64xf32, #tpu.memory_space<vmem>>, %arg7: memref<!tpu.dma_semaphore, #tpu.memory_space<semaphore_mem>>, %arg8: memref<!tpu.dma_semaphore, #tpu.memory_space<semaphore_mem>>) attributes {dimension_semantics = [#tpu.dimension_semantics<core_parallel>, #tpu.dimension_semantics<subcore_parallel>], iteration_bounds = array<i64: 2, 16>, scalar_prefetch = 0 : i64, scratch_operands = 4 : i64, tpu.core_type = #tpu.core_type<sc_vector_subcore>, window_params = [{transform_indices = #map}, {transform_indices = #map1}, {transform_indices = #map1}]} {
    %mul3A = arith.constant 2 : i32
    %mul3A_0 = arith.muli %arg1, %mul3A : i32
    %add3A = arith.addi %mul3A_0, %arg0 : i32
    "tpu.region"() ({
      %run_scoped3A = tpu.sem_alloc : memref<!tpu.dma_semaphore, #tpu.memory_space<semaphore_mem>>
      %dma_start3A_546 = arith.constant 0 : i32
      %dma_start3A_547 = arith.constant 0 : i32
      %dma_start3A_548 = tpu.memref_slice %arg2[%add3A, %dma_start3A_546, %dma_start3A_547] : memref<32x50x128xi32, #tpu.memory_space<hbm>> -> memref<1x50x128xi32, #tpu.memory_space<hbm>>
      %dma_start3A_549 = tpu.memref_squeeze %dma_start3A_548 : memref<1x50x128xi32, #tpu.memory_space<hbm>> -> memref<50x128xi32, #tpu.memory_space<hbm>>
      %dma_start3A_550 = arith.constant 0 : i32
      %dma_start3A_551 = arith.constant 0 : i32
      %dma_start3A_552 = tpu.memref_slice %arg2[%add3A, %dma_start3A_550, %dma_start3A_551] : memref<32x50x128xi32, #tpu.memory_space<hbm>> -> memref<1x50x128xi32, #tpu.memory_space<hbm>>
      %dma_start3A_553 = tpu.memref_squeeze %dma_start3A_552 : memref<1x50x128xi32, #tpu.memory_space<hbm>> -> memref<50x128xi32, #tpu.memory_space<hbm>>
      tpu.enqueue_dma source(%dma_start3A_553 : memref<50x128xi32, #tpu.memory_space<hbm>>) target(%arg5 : memref<50x128xi32, #tpu.memory_space<vmem>>) target_semaphore(%run_scoped3A : memref<!tpu.dma_semaphore, #tpu.memory_space<semaphore_mem>>)
      %dma_wait3A_554 = arith.constant 0 : i32
      %dma_wait3A_555 = arith.constant 0 : i32
      %dma_wait3A_556 = tpu.memref_slice %arg2[%add3A, %dma_wait3A_554, %dma_wait3A_555] : memref<32x50x128xi32, #tpu.memory_space<hbm>> -> memref<1x50x128xi32, #tpu.memory_space<hbm>>
      %dma_wait3A_557 = tpu.memref_squeeze %dma_wait3A_556 : memref<1x50x128xi32, #tpu.memory_space<hbm>> -> memref<50x128xi32, #tpu.memory_space<hbm>>
      %dma_wait3A_558 = arith.constant 0 : i32
      %dma_wait3A_559 = arith.constant 0 : i32
      %dma_wait3A_560 = tpu.memref_slice %arg2[%add3A, %dma_wait3A_558, %dma_wait3A_559] : memref<32x50x128xi32, #tpu.memory_space<hbm>> -> memref<1x50x128xi32, #tpu.memory_space<hbm>>
      %dma_wait3A_561 = tpu.memref_squeeze %dma_wait3A_560 : memref<1x50x128xi32, #tpu.memory_space<hbm>> -> memref<50x128xi32, #tpu.memory_space<hbm>>
      tpu.wait_dma2 semaphore(%run_scoped3A : memref<!tpu.dma_semaphore, #tpu.memory_space<semaphore_mem>>) src(%dma_wait3A_561 : memref<50x128xi32, #tpu.memory_space<hbm>>) dst(%arg5 : memref<50x128xi32, #tpu.memory_space<vmem>>)
      tpu.yield
    }) : () -> ()
    %mul3A_1 = arith.constant 6400 : i32
    %mul3A_2 = arith.muli %add3A, %mul3A_1 : i32
    %dma_start3A = arith.constant 0 : i32
    %dma_start3A_3 = arith.constant 0 : i32
    %dma_start3A_4 = arith.constant 0 : i32
    %dma_start3A_5 = arith.constant 0 : i32
    %dma_start3A_6 = tpu.memref_slice %arg6[%dma_start3A_3, %dma_start3A_4, %dma_start3A_5] : memref<5x128x64xf32, #tpu.memory_space<vmem>> -> memref<1x128x64xf32, #tpu.memory_space<vmem>>
    %dma_start3A_7 = tpu.memref_squeeze %dma_start3A_6 : memref<1x128x64xf32, #tpu.memory_space<vmem>> -> memref<128x64xf32, #tpu.memory_space<vmem>>
    %dma_start3A_8 = arith.constant 0 : i32
    %dma_start3A_9 = tpu.memref_slice %arg5[%dma_start3A, %dma_start3A_8] : memref<50x128xi32, #tpu.memory_space<vmem>> -> memref<1x128xi32, #tpu.memory_space<vmem>>
    %dma_start3A_10 = tpu.memref_squeeze %dma_start3A_9 : memref<1x128xi32, #tpu.memory_space<vmem>> -> memref<128xi32, #tpu.memory_space<vmem>>
    %dma_start3A_11 = arith.constant 0 : i32
    %dma_start3A_12 = arith.constant 0 : i32
    %dma_start3A_13 = tpu.memref_slice %arg3[%dma_start3A_11, %dma_start3A_12] : memref<100000x64xf32, #tpu.memory_space<hbm>> -> memref<100000x64xf32, #tpu.memory_space<hbm>>
    tpu.enqueue_indirect_dma source(%dma_start3A_13 : memref<100000x64xf32, #tpu.memory_space<hbm>>) target(%dma_start3A_7 : memref<128x64xf32, #tpu.memory_space<vmem>>) offsets(%dma_start3A_10 : memref<128xi32, #tpu.memory_space<vmem>>) semaphore(%arg7 : memref<!tpu.dma_semaphore, #tpu.memory_space<semaphore_mem>>)
    %dma_start3A_14 = arith.constant 1 : i32
    %dma_start3A_15 = arith.constant 1 : i32
    %dma_start3A_16 = arith.constant 0 : i32
    %dma_start3A_17 = arith.constant 0 : i32
    %dma_start3A_18 = tpu.memref_slice %arg6[%dma_start3A_15, %dma_start3A_16, %dma_start3A_17] : memref<5x128x64xf32, #tpu.memory_space<vmem>> -> memref<1x128x64xf32, #tpu.memory_space<vmem>>
    %dma_start3A_19 = tpu.memref_squeeze %dma_start3A_18 : memref<1x128x64xf32, #tpu.memory_space<vmem>> -> memref<128x64xf32, #tpu.memory_space<vmem>>
    %dma_start3A_20 = arith.constant 0 : i32
    %dma_start3A_21 = tpu.memref_slice %arg5[%dma_start3A_14, %dma_start3A_20] : memref<50x128xi32, #tpu.memory_space<vmem>> -> memref<1x128xi32, #tpu.memory_space<vmem>>
    %dma_start3A_22 = tpu.memref_squeeze %dma_start3A_21 : memref<1x128xi32, #tpu.memory_space<vmem>> -> memref<128xi32, #tpu.memory_space<vmem>>
    %dma_start3A_23 = arith.constant 0 : i32
    %dma_start3A_24 = arith.constant 0 : i32
    %dma_start3A_25 = tpu.memref_slice %arg3[%dma_start3A_23, %dma_start3A_24] : memref<100000x64xf32, #tpu.memory_space<hbm>> -> memref<100000x64xf32, #tpu.memory_space<hbm>>
    tpu.enqueue_indirect_dma source(%dma_start3A_25 : memref<100000x64xf32, #tpu.memory_space<hbm>>) target(%dma_start3A_19 : memref<128x64xf32, #tpu.memory_space<vmem>>) offsets(%dma_start3A_22 : memref<128xi32, #tpu.memory_space<vmem>>) semaphore(%arg7 : memref<!tpu.dma_semaphore, #tpu.memory_space<semaphore_mem>>)
    %dma_start3A_26 = arith.constant 2 : i32
    %dma_start3A_27 = arith.constant 2 : i32
    %dma_start3A_28 = arith.constant 0 : i32
    %dma_start3A_29 = arith.constant 0 : i32
    %dma_start3A_30 = tpu.memref_slice %arg6[%dma_start3A_27, %dma_start3A_28, %dma_start3A_29] : memref<5x128x64xf32, #tpu.memory_space<vmem>> -> memref<1x128x64xf32, #tpu.memory_space<vmem>>
    %dma_start3A_31 = tpu.memref_squeeze %dma_start3A_30 : memref<1x128x64xf32, #tpu.memory_space<vmem>> -> memref<128x64xf32, #tpu.memory_space<vmem>>
    %dma_start3A_32 = arith.constant 0 : i32
    %dma_start3A_33 = tpu.memref_slice %arg5[%dma_start3A_26, %dma_start3A_32] : memref<50x128xi32, #tpu.memory_space<vmem>> -> memref<1x128xi32, #tpu.memory_space<vmem>>
    %dma_start3A_34 = tpu.memref_squeeze %dma_start3A_33 : memref<1x128xi32, #tpu.memory_space<vmem>> -> memref<128xi32, #tpu.memory_space<vmem>>
    %dma_start3A_35 = arith.constant 0 : i32
    %dma_start3A_36 = arith.constant 0 : i32
    %dma_start3A_37 = tpu.memref_slice %arg3[%dma_start3A_35, %dma_start3A_36] : memref<100000x64xf32, #tpu.memory_space<hbm>> -> memref<100000x64xf32, #tpu.memory_space<hbm>>
    tpu.enqueue_indirect_dma source(%dma_start3A_37 : memref<100000x64xf32, #tpu.memory_space<hbm>>) target(%dma_start3A_31 : memref<128x64xf32, #tpu.memory_space<vmem>>) offsets(%dma_start3A_34 : memref<128xi32, #tpu.memory_space<vmem>>) semaphore(%arg7 : memref<!tpu.dma_semaphore, #tpu.memory_space<semaphore_mem>>)
    %dma_wait3A = arith.constant 0 : i32
    %dma_wait3A_38 = arith.constant 0 : i32
    %dma_wait3A_39 = arith.constant 0 : i32
    %dma_wait3A_40 = arith.constant 0 : i32
    %dma_wait3A_41 = tpu.memref_slice %arg6[%dma_wait3A_38, %dma_wait3A_39, %dma_wait3A_40] : memref<5x128x64xf32, #tpu.memory_space<vmem>> -> memref<1x128x64xf32, #tpu.memory_space<vmem>>
    %dma_wait3A_42 = tpu.memref_squeeze %dma_wait3A_41 : memref<1x128x64xf32, #tpu.memory_space<vmem>> -> memref<128x64xf32, #tpu.memory_space<vmem>>
    %dma_wait3A_43 = arith.constant 0 : i32
    %dma_wait3A_44 = tpu.memref_slice %arg5[%dma_wait3A, %dma_wait3A_43] : memref<50x128xi32, #tpu.memory_space<vmem>> -> memref<1x128xi32, #tpu.memory_space<vmem>>
    %dma_wait3A_45 = tpu.memref_squeeze %dma_wait3A_44 : memref<1x128xi32, #tpu.memory_space<vmem>> -> memref<128xi32, #tpu.memory_space<vmem>>
    %dma_wait3A_46 = arith.constant 0 : i32
    %dma_wait3A_47 = arith.constant 0 : i32
    %dma_wait3A_48 = tpu.memref_slice %arg3[%dma_wait3A_46, %dma_wait3A_47] : memref<100000x64xf32, #tpu.memory_space<hbm>> -> memref<100000x64xf32, #tpu.memory_space<hbm>>
    tpu.wait_indirect_dma semaphore(%arg7 : memref<!tpu.dma_semaphore, #tpu.memory_space<semaphore_mem>>) src(%dma_wait3A_48 : memref<100000x64xf32, #tpu.memory_space<hbm>>) dst(%dma_wait3A_42 : memref<128x64xf32, #tpu.memory_space<vmem>>)
    %add3A_49 = arith.constant 0 : i32
    %add3A_50 = arith.addi %mul3A_2, %add3A_49 : i32
    %dma_start3A_51 = arith.constant 0 : i32
    %dma_start3A_52 = arith.constant 0 : i32
    %dma_start3A_53 = arith.constant 0 : i32
    %dma_start3A_54 = tpu.memref_slice %arg6[%dma_start3A_51, %dma_start3A_52, %dma_start3A_53] : memref<5x128x64xf32, #tpu.memory_space<vmem>> -> memref<1x128x64xf32, #tpu.memory_space<vmem>>
    %dma_start3A_55 = tpu.memref_squeeze %dma_start3A_54 : memref<1x128x64xf32, #tpu.memory_space<vmem>> -> memref<128x64xf32, #tpu.memory_space<vmem>>
    %dma_start3A_56 = arith.constant 0 : i32
    %dma_start3A_57 = tpu.memref_slice %arg4[%add3A_50, %dma_start3A_56] : memref<204800x64xf32, #tpu.memory_space<hbm>> -> memref<128x64xf32, #tpu.memory_space<hbm>>
    %dma_start3A_58 = arith.constant 0 : i32
    %dma_start3A_59 = tpu.memref_slice %arg4[%add3A_50, %dma_start3A_58] : memref<204800x64xf32, #tpu.memory_space<hbm>> -> memref<128x64xf32, #tpu.memory_space<hbm>>
    %dma_start3A_60 = arith.constant 0 : i32
    %dma_start3A_61 = arith.constant 0 : i32
    %dma_start3A_62 = tpu.memref_slice %arg6[%dma_start3A_51, %dma_start3A_60, %dma_start3A_61] : memref<5x128x64xf32, #tpu.memory_space<vmem>> -> memref<1x128x64xf32, #tpu.memory_space<vmem>>
    %dma_start3A_63 = tpu.memref_squeeze %dma_start3A_62 : memref<1x128x64xf32, #tpu.memory_space<vmem>> -> memref<128x64xf32, #tpu.memory_space<vmem>>
    tpu.enqueue_dma source(%dma_start3A_63 : memref<128x64xf32, #tpu.memory_space<vmem>>) target(%dma_start3A_59 : memref<128x64xf32, #tpu.memory_space<hbm>>) target_semaphore(%arg8 : memref<!tpu.dma_semaphore, #tpu.memory_space<semaphore_mem>>)
    %dma_start3A_64 = arith.constant 3 : i32
    %dma_start3A_65 = arith.constant 3 : i32
    %dma_start3A_66 = arith.constant 0 : i32
    %dma_start3A_67 = arith.constant 0 : i32
    %dma_start3A_68 = tpu.memref_slice %arg6[%dma_start3A_65, %dma_start3A_66, %dma_start3A_67] : memref<5x128x64xf32, #tpu.memory_space<vmem>> -> memref<1x128x64xf32, #tpu.memory_space<vmem>>
    %dma_start3A_69 = tpu.memref_squeeze %dma_start3A_68 : memref<1x128x64xf32, #tpu.memory_space<vmem>> -> memref<128x64xf32, #tpu.memory_space<vmem>>
    %dma_start3A_70 = arith.constant 0 : i32
    %dma_start3A_71 = tpu.memref_slice %arg5[%dma_start3A_64, %dma_start3A_70] : memref<50x128xi32, #tpu.memory_space<vmem>> -> memref<1x128xi32, #tpu.memory_space<vmem>>
    %dma_start3A_72 = tpu.memref_squeeze %dma_start3A_71 : memref<1x128xi32, #tpu.memory_space<vmem>> -> memref<128xi32, #tpu.memory_space<vmem>>
    %dma_start3A_73 = arith.constant 0 : i32
    %dma_start3A_74 = arith.constant 0 : i32
    %dma_start3A_75 = tpu.memref_slice %arg3[%dma_start3A_73, %dma_start3A_74] : memref<100000x64xf32, #tpu.memory_space<hbm>> -> memref<100000x64xf32, #tpu.memory_space<hbm>>
    tpu.enqueue_indirect_dma source(%dma_start3A_75 : memref<100000x64xf32, #tpu.memory_space<hbm>>) target(%dma_start3A_69 : memref<128x64xf32, #tpu.memory_space<vmem>>) offsets(%dma_start3A_72 : memref<128xi32, #tpu.memory_space<vmem>>) semaphore(%arg7 : memref<!tpu.dma_semaphore, #tpu.memory_space<semaphore_mem>>)
    %dma_wait3A_76 = arith.constant 1 : i32
    %dma_wait3A_77 = arith.constant 1 : i32
    %dma_wait3A_78 = arith.constant 0 : i32
    %dma_wait3A_79 = arith.constant 0 : i32
    %dma_wait3A_80 = tpu.memref_slice %arg6[%dma_wait3A_77, %dma_wait3A_78, %dma_wait3A_79] : memref<5x128x64xf32, #tpu.memory_space<vmem>> -> memref<1x128x64xf32, #tpu.memory_space<vmem>>
    %dma_wait3A_81 = tpu.memref_squeeze %dma_wait3A_80 : memref<1x128x64xf32, #tpu.memory_space<vmem>> -> memref<128x64xf32, #tpu.memory_space<vmem>>
    %dma_wait3A_82 = arith.constant 0 : i32
    %dma_wait3A_83 = tpu.memref_slice %arg5[%dma_wait3A_76, %dma_wait3A_82] : memref<50x128xi32, #tpu.memory_space<vmem>> -> memref<1x128xi32, #tpu.memory_space<vmem>>
    %dma_wait3A_84 = tpu.memref_squeeze %dma_wait3A_83 : memref<1x128xi32, #tpu.memory_space<vmem>> -> memref<128xi32, #tpu.memory_space<vmem>>
    %dma_wait3A_85 = arith.constant 0 : i32
    %dma_wait3A_86 = arith.constant 0 : i32
    %dma_wait3A_87 = tpu.memref_slice %arg3[%dma_wait3A_85, %dma_wait3A_86] : memref<100000x64xf32, #tpu.memory_space<hbm>> -> memref<100000x64xf32, #tpu.memory_space<hbm>>
    tpu.wait_indirect_dma semaphore(%arg7 : memref<!tpu.dma_semaphore, #tpu.memory_space<semaphore_mem>>) src(%dma_wait3A_87 : memref<100000x64xf32, #tpu.memory_space<hbm>>) dst(%dma_wait3A_81 : memref<128x64xf32, #tpu.memory_space<vmem>>)
    %add3A_88 = arith.constant 128 : i32
    %add3A_89 = arith.addi %mul3A_2, %add3A_88 : i32
    %dma_start3A_90 = arith.constant 1 : i32
    %dma_start3A_91 = arith.constant 0 : i32
    %dma_start3A_92 = arith.constant 0 : i32
    %dma_start3A_93 = tpu.memref_slice %arg6[%dma_start3A_90, %dma_start3A_91, %dma_start3A_92] : memref<5x128x64xf32, #tpu.memory_space<vmem>> -> memref<1x128x64xf32, #tpu.memory_space<vmem>>
    %dma_start3A_94 = tpu.memref_squeeze %dma_start3A_93 : memref<1x128x64xf32, #tpu.memory_space<vmem>> -> memref<128x64xf32, #tpu.memory_space<vmem>>
    %dma_start3A_95 = arith.constant 0 : i32
    %dma_start3A_96 = tpu.memref_slice %arg4[%add3A_89, %dma_start3A_95] : memref<204800x64xf32, #tpu.memory_space<hbm>> -> memref<128x64xf32, #tpu.memory_space<hbm>>
    %dma_start3A_97 = arith.constant 0 : i32
    %dma_start3A_98 = tpu.memref_slice %arg4[%add3A_89, %dma_start3A_97] : memref<204800x64xf32, #tpu.memory_space<hbm>> -> memref<128x64xf32, #tpu.memory_space<hbm>>
    %dma_start3A_99 = arith.constant 0 : i32
    %dma_start3A_100 = arith.constant 0 : i32
    %dma_start3A_101 = tpu.memref_slice %arg6[%dma_start3A_90, %dma_start3A_99, %dma_start3A_100] : memref<5x128x64xf32, #tpu.memory_space<vmem>> -> memref<1x128x64xf32, #tpu.memory_space<vmem>>
    %dma_start3A_102 = tpu.memref_squeeze %dma_start3A_101 : memref<1x128x64xf32, #tpu.memory_space<vmem>> -> memref<128x64xf32, #tpu.memory_space<vmem>>
    tpu.enqueue_dma source(%dma_start3A_102 : memref<128x64xf32, #tpu.memory_space<vmem>>) target(%dma_start3A_98 : memref<128x64xf32, #tpu.memory_space<hbm>>) target_semaphore(%arg8 : memref<!tpu.dma_semaphore, #tpu.memory_space<semaphore_mem>>)
    %dma_start3A_103 = arith.constant 4 : i32
    %dma_start3A_104 = arith.constant 4 : i32
    %dma_start3A_105 = arith.constant 0 : i32
    %dma_start3A_106 = arith.constant 0 : i32
    %dma_start3A_107 = tpu.memref_slice %arg6[%dma_start3A_104, %dma_start3A_105, %dma_start3A_106] : memref<5x128x64xf32, #tpu.memory_space<vmem>> -> memref<1x128x64xf32, #tpu.memory_space<vmem>>
    %dma_start3A_108 = tpu.memref_squeeze %dma_start3A_107 : memref<1x128x64xf32, #tpu.memory_space<vmem>> -> memref<128x64xf32, #tpu.memory_space<vmem>>
    %dma_start3A_109 = arith.constant 0 : i32
    %dma_start3A_110 = tpu.memref_slice %arg5[%dma_start3A_103, %dma_start3A_109] : memref<50x128xi32, #tpu.memory_space<vmem>> -> memref<1x128xi32, #tpu.memory_space<vmem>>
    %dma_start3A_111 = tpu.memref_squeeze %dma_start3A_110 : memref<1x128xi32, #tpu.memory_space<vmem>> -> memref<128xi32, #tpu.memory_space<vmem>>
    %dma_start3A_112 = arith.constant 0 : i32
    %dma_start3A_113 = arith.constant 0 : i32
    %dma_start3A_114 = tpu.memref_slice %arg3[%dma_start3A_112, %dma_start3A_113] : memref<100000x64xf32, #tpu.memory_space<hbm>> -> memref<100000x64xf32, #tpu.memory_space<hbm>>
    tpu.enqueue_indirect_dma source(%dma_start3A_114 : memref<100000x64xf32, #tpu.memory_space<hbm>>) target(%dma_start3A_108 : memref<128x64xf32, #tpu.memory_space<vmem>>) offsets(%dma_start3A_111 : memref<128xi32, #tpu.memory_space<vmem>>) semaphore(%arg7 : memref<!tpu.dma_semaphore, #tpu.memory_space<semaphore_mem>>)
    %dma_wait3A_115 = arith.constant 2 : i32
    %dma_wait3A_116 = arith.constant 2 : i32
    %dma_wait3A_117 = arith.constant 0 : i32
    %dma_wait3A_118 = arith.constant 0 : i32
    %dma_wait3A_119 = tpu.memref_slice %arg6[%dma_wait3A_116, %dma_wait3A_117, %dma_wait3A_118] : memref<5x128x64xf32, #tpu.memory_space<vmem>> -> memref<1x128x64xf32, #tpu.memory_space<vmem>>
    %dma_wait3A_120 = tpu.memref_squeeze %dma_wait3A_119 : memref<1x128x64xf32, #tpu.memory_space<vmem>> -> memref<128x64xf32, #tpu.memory_space<vmem>>
    %dma_wait3A_121 = arith.constant 0 : i32
    %dma_wait3A_122 = tpu.memref_slice %arg5[%dma_wait3A_115, %dma_wait3A_121] : memref<50x128xi32, #tpu.memory_space<vmem>> -> memref<1x128xi32, #tpu.memory_space<vmem>>
    %dma_wait3A_123 = tpu.memref_squeeze %dma_wait3A_122 : memref<1x128xi32, #tpu.memory_space<vmem>> -> memref<128xi32, #tpu.memory_space<vmem>>
    %dma_wait3A_124 = arith.constant 0 : i32
    %dma_wait3A_125 = arith.constant 0 : i32
    %dma_wait3A_126 = tpu.memref_slice %arg3[%dma_wait3A_124, %dma_wait3A_125] : memref<100000x64xf32, #tpu.memory_space<hbm>> -> memref<100000x64xf32, #tpu.memory_space<hbm>>
    tpu.wait_indirect_dma semaphore(%arg7 : memref<!tpu.dma_semaphore, #tpu.memory_space<semaphore_mem>>) src(%dma_wait3A_126 : memref<100000x64xf32, #tpu.memory_space<hbm>>) dst(%dma_wait3A_120 : memref<128x64xf32, #tpu.memory_space<vmem>>)
    %add3A_127 = arith.constant 256 : i32
    %add3A_128 = arith.addi %mul3A_2, %add3A_127 : i32
    %dma_start3A_129 = arith.constant 2 : i32
    %dma_start3A_130 = arith.constant 0 : i32
    %dma_start3A_131 = arith.constant 0 : i32
    %dma_start3A_132 = tpu.memref_slice %arg6[%dma_start3A_129, %dma_start3A_130, %dma_start3A_131] : memref<5x128x64xf32, #tpu.memory_space<vmem>> -> memref<1x128x64xf32, #tpu.memory_space<vmem>>
    %dma_start3A_133 = tpu.memref_squeeze %dma_start3A_132 : memref<1x128x64xf32, #tpu.memory_space<vmem>> -> memref<128x64xf32, #tpu.memory_space<vmem>>
    %dma_start3A_134 = arith.constant 0 : i32
    %dma_start3A_135 = tpu.memref_slice %arg4[%add3A_128, %dma_start3A_134] : memref<204800x64xf32, #tpu.memory_space<hbm>> -> memref<128x64xf32, #tpu.memory_space<hbm>>
    %dma_start3A_136 = arith.constant 0 : i32
    %dma_start3A_137 = tpu.memref_slice %arg4[%add3A_128, %dma_start3A_136] : memref<204800x64xf32, #tpu.memory_space<hbm>> -> memref<128x64xf32, #tpu.memory_space<hbm>>
    %dma_start3A_138 = arith.constant 0 : i32
    %dma_start3A_139 = arith.constant 0 : i32
    %dma_start3A_140 = tpu.memref_slice %arg6[%dma_start3A_129, %dma_start3A_138, %dma_start3A_139] : memref<5x128x64xf32, #tpu.memory_space<vmem>> -> memref<1x128x64xf32, #tpu.memory_space<vmem>>
    %dma_start3A_141 = tpu.memref_squeeze %dma_start3A_140 : memref<1x128x64xf32, #tpu.memory_space<vmem>> -> memref<128x64xf32, #tpu.memory_space<vmem>>
    tpu.enqueue_dma source(%dma_start3A_141 : memref<128x64xf32, #tpu.memory_space<vmem>>) target(%dma_start3A_137 : memref<128x64xf32, #tpu.memory_space<hbm>>) target_semaphore(%arg8 : memref<!tpu.dma_semaphore, #tpu.memory_space<semaphore_mem>>)
    %add3A_142 = arith.constant 0 : i32
    %add3A_143 = arith.addi %mul3A_2, %add3A_142 : i32
    %dma_wait3A_144 = arith.constant 0 : i32
    %dma_wait3A_145 = arith.constant 0 : i32
    %dma_wait3A_146 = arith.constant 0 : i32
    %dma_wait3A_147 = tpu.memref_slice %arg6[%dma_wait3A_144, %dma_wait3A_145, %dma_wait3A_146] : memref<5x128x64xf32, #tpu.memory_space<vmem>> -> memref<1x128x64xf32, #tpu.memory_space<vmem>>
    %dma_wait3A_148 = tpu.memref_squeeze %dma_wait3A_147 : memref<1x128x64xf32, #tpu.memory_space<vmem>> -> memref<128x64xf32, #tpu.memory_space<vmem>>
    %dma_wait3A_149 = arith.constant 0 : i32
    %dma_wait3A_150 = tpu.memref_slice %arg4[%add3A_143, %dma_wait3A_149] : memref<204800x64xf32, #tpu.memory_space<hbm>> -> memref<128x64xf32, #tpu.memory_space<hbm>>
    %dma_wait3A_151 = arith.constant 0 : i32
    %dma_wait3A_152 = tpu.memref_slice %arg4[%add3A_143, %dma_wait3A_151] : memref<204800x64xf32, #tpu.memory_space<hbm>> -> memref<128x64xf32, #tpu.memory_space<hbm>>
    %dma_wait3A_153 = arith.constant 0 : i32
    %dma_wait3A_154 = arith.constant 0 : i32
    %dma_wait3A_155 = tpu.memref_slice %arg6[%dma_wait3A_144, %dma_wait3A_153, %dma_wait3A_154] : memref<5x128x64xf32, #tpu.memory_space<vmem>> -> memref<1x128x64xf32, #tpu.memory_space<vmem>>
    %dma_wait3A_156 = tpu.memref_squeeze %dma_wait3A_155 : memref<1x128x64xf32, #tpu.memory_space<vmem>> -> memref<128x64xf32, #tpu.memory_space<vmem>>
    tpu.wait_dma2 semaphore(%arg8 : memref<!tpu.dma_semaphore, #tpu.memory_space<semaphore_mem>>) src(%dma_wait3A_156 : memref<128x64xf32, #tpu.memory_space<vmem>>) dst(%dma_wait3A_152 : memref<128x64xf32, #tpu.memory_space<hbm>>)
    %dma_start3A_157 = arith.constant 5 : i32
    %dma_start3A_158 = arith.constant 0 : i32
    %dma_start3A_159 = arith.constant 0 : i32
    %dma_start3A_160 = arith.constant 0 : i32
    %dma_start3A_161 = tpu.memref_slice %arg6[%dma_start3A_158, %dma_start3A_159, %dma_start3A_160] : memref<5x128x64xf32, #tpu.memory_space<vmem>> -> memref<1x128x64xf32, #tpu.memory_space<vmem>>
    %dma_start3A_162 = tpu.memref_squeeze %dma_start3A_161 : memref<1x128x64xf32, #tpu.memory_space<vmem>> -> memref<128x64xf32, #tpu.memory_space<vmem>>
    %dma_start3A_163 = arith.constant 0 : i32
    %dma_start3A_164 = tpu.memref_slice %arg5[%dma_start3A_157, %dma_start3A_163] : memref<50x128xi32, #tpu.memory_space<vmem>> -> memref<1x128xi32, #tpu.memory_space<vmem>>
    %dma_start3A_165 = tpu.memref_squeeze %dma_start3A_164 : memref<1x128xi32, #tpu.memory_space<vmem>> -> memref<128xi32, #tpu.memory_space<vmem>>
    %dma_start3A_166 = arith.constant 0 : i32
    %dma_start3A_167 = arith.constant 0 : i32
    %dma_start3A_168 = tpu.memref_slice %arg3[%dma_start3A_166, %dma_start3A_167] : memref<100000x64xf32, #tpu.memory_space<hbm>> -> memref<100000x64xf32, #tpu.memory_space<hbm>>
    tpu.enqueue_indirect_dma source(%dma_start3A_168 : memref<100000x64xf32, #tpu.memory_space<hbm>>) target(%dma_start3A_162 : memref<128x64xf32, #tpu.memory_space<vmem>>) offsets(%dma_start3A_165 : memref<128xi32, #tpu.memory_space<vmem>>) semaphore(%arg7 : memref<!tpu.dma_semaphore, #tpu.memory_space<semaphore_mem>>)
    %dma_wait3A_169 = arith.constant 3 : i32
    %dma_wait3A_170 = arith.constant 3 : i32
    %dma_wait3A_171 = arith.constant 0 : i32
    %dma_wait3A_172 = arith.constant 0 : i32
    %dma_wait3A_173 = tpu.memref_slice %arg6[%dma_wait3A_170, %dma_wait3A_171, %dma_wait3A_172] : memref<5x128x64xf32, #tpu.memory_space<vmem>> -> memref<1x128x64xf32, #tpu.memory_space<vmem>>
    %dma_wait3A_174 = tpu.memref_squeeze %dma_wait3A_173 : memref<1x128x64xf32, #tpu.memory_space<vmem>> -> memref<128x64xf32, #tpu.memory_space<vmem>>
    %dma_wait3A_175 = arith.constant 0 : i32
    %dma_wait3A_176 = tpu.memref_slice %arg5[%dma_wait3A_169, %dma_wait3A_175] : memref<50x128xi32, #tpu.memory_space<vmem>> -> memref<1x128xi32, #tpu.memory_space<vmem>>
    %dma_wait3A_177 = tpu.memref_squeeze %dma_wait3A_176 : memref<1x128xi32, #tpu.memory_space<vmem>> -> memref<128xi32, #tpu.memory_space<vmem>>
    %dma_wait3A_178 = arith.constant 0 : i32
    %dma_wait3A_179 = arith.constant 0 : i32
    %dma_wait3A_180 = tpu.memref_slice %arg3[%dma_wait3A_178, %dma_wait3A_179] : memref<100000x64xf32, #tpu.memory_space<hbm>> -> memref<100000x64xf32, #tpu.memory_space<hbm>>
    tpu.wait_indirect_dma semaphore(%arg7 : memref<!tpu.dma_semaphore, #tpu.memory_space<semaphore_mem>>) src(%dma_wait3A_180 : memref<100000x64xf32, #tpu.memory_space<hbm>>) dst(%dma_wait3A_174 : memref<128x64xf32, #tpu.memory_space<vmem>>)
    %add3A_181 = arith.constant 384 : i32
    %add3A_182 = arith.addi %mul3A_2, %add3A_181 : i32
    %dma_start3A_183 = arith.constant 3 : i32
    %dma_start3A_184 = arith.constant 0 : i32
    %dma_start3A_185 = arith.constant 0 : i32
    %dma_start3A_186 = tpu.memref_slice %arg6[%dma_start3A_183, %dma_start3A_184, %dma_start3A_185] : memref<5x128x64xf32, #tpu.memory_space<vmem>> -> memref<1x128x64xf32, #tpu.memory_space<vmem>>
    %dma_start3A_187 = tpu.memref_squeeze %dma_start3A_186 : memref<1x128x64xf32, #tpu.memory_space<vmem>> -> memref<128x64xf32, #tpu.memory_space<vmem>>
    %dma_start3A_188 = arith.constant 0 : i32
    %dma_start3A_189 = tpu.memref_slice %arg4[%add3A_182, %dma_start3A_188] : memref<204800x64xf32, #tpu.memory_space<hbm>> -> memref<128x64xf32, #tpu.memory_space<hbm>>
    %dma_start3A_190 = arith.constant 0 : i32
    %dma_start3A_191 = tpu.memref_slice %arg4[%add3A_182, %dma_start3A_190] : memref<204800x64xf32, #tpu.memory_space<hbm>> -> memref<128x64xf32, #tpu.memory_space<hbm>>
    %dma_start3A_192 = arith.constant 0 : i32
    %dma_start3A_193 = arith.constant 0 : i32
    %dma_start3A_194 = tpu.memref_slice %arg6[%dma_start3A_183, %dma_start3A_192, %dma_start3A_193] : memref<5x128x64xf32, #tpu.memory_space<vmem>> -> memref<1x128x64xf32, #tpu.memory_space<vmem>>
    %dma_start3A_195 = tpu.memref_squeeze %dma_start3A_194 : memref<1x128x64xf32, #tpu.memory_space<vmem>> -> memref<128x64xf32, #tpu.memory_space<vmem>>
    tpu.enqueue_dma source(%dma_start3A_195 : memref<128x64xf32, #tpu.memory_space<vmem>>) target(%dma_start3A_191 : memref<128x64xf32, #tpu.memory_space<hbm>>) target_semaphore(%arg8 : memref<!tpu.dma_semaphore, #tpu.memory_space<semaphore_mem>>)
    %add3A_196 = arith.constant 128 : i32
    %add3A_197 = arith.addi %mul3A_2, %add3A_196 : i32
    %dma_wait3A_198 = arith.constant 1 : i32
    %dma_wait3A_199 = arith.constant 0 : i32
    %dma_wait3A_200 = arith.constant 0 : i32
    %dma_wait3A_201 = tpu.memref_slice %arg6[%dma_wait3A_198, %dma_wait3A_199, %dma_wait3A_200] : memref<5x128x64xf32, #tpu.memory_space<vmem>> -> memref<1x128x64xf32, #tpu.memory_space<vmem>>
    %dma_wait3A_202 = tpu.memref_squeeze %dma_wait3A_201 : memref<1x128x64xf32, #tpu.memory_space<vmem>> -> memref<128x64xf32, #tpu.memory_space<vmem>>
    %dma_wait3A_203 = arith.constant 0 : i32
    %dma_wait3A_204 = tpu.memref_slice %arg4[%add3A_197, %dma_wait3A_203] : memref<204800x64xf32, #tpu.memory_space<hbm>> -> memref<128x64xf32, #tpu.memory_space<hbm>>
    %dma_wait3A_205 = arith.constant 0 : i32
    %dma_wait3A_206 = tpu.memref_slice %arg4[%add3A_197, %dma_wait3A_205] : memref<204800x64xf32, #tpu.memory_space<hbm>> -> memref<128x64xf32, #tpu.memory_space<hbm>>
    %dma_wait3A_207 = arith.constant 0 : i32
    %dma_wait3A_208 = arith.constant 0 : i32
    %dma_wait3A_209 = tpu.memref_slice %arg6[%dma_wait3A_198, %dma_wait3A_207, %dma_wait3A_208] : memref<5x128x64xf32, #tpu.memory_space<vmem>> -> memref<1x128x64xf32, #tpu.memory_space<vmem>>
    %dma_wait3A_210 = tpu.memref_squeeze %dma_wait3A_209 : memref<1x128x64xf32, #tpu.memory_space<vmem>> -> memref<128x64xf32, #tpu.memory_space<vmem>>
    tpu.wait_dma2 semaphore(%arg8 : memref<!tpu.dma_semaphore, #tpu.memory_space<semaphore_mem>>) src(%dma_wait3A_210 : memref<128x64xf32, #tpu.memory_space<vmem>>) dst(%dma_wait3A_206 : memref<128x64xf32, #tpu.memory_space<hbm>>)
    %dma_start3A_211 = arith.constant 6 : i32
    %dma_start3A_212 = arith.constant 1 : i32
    %dma_start3A_213 = arith.constant 0 : i32
    %dma_start3A_214 = arith.constant 0 : i32
    %dma_start3A_215 = tpu.memref_slice %arg6[%dma_start3A_212, %dma_start3A_213, %dma_start3A_214] : memref<5x128x64xf32, #tpu.memory_space<vmem>> -> memref<1x128x64xf32, #tpu.memory_space<vmem>>
    %dma_start3A_216 = tpu.memref_squeeze %dma_start3A_215 : memref<1x128x64xf32, #tpu.memory_space<vmem>> -> memref<128x64xf32, #tpu.memory_space<vmem>>
    %dma_start3A_217 = arith.constant 0 : i32
    %dma_start3A_218 = tpu.memref_slice %arg5[%dma_start3A_211, %dma_start3A_217] : memref<50x128xi32, #tpu.memory_space<vmem>> -> memref<1x128xi32, #tpu.memory_space<vmem>>
    %dma_start3A_219 = tpu.memref_squeeze %dma_start3A_218 : memref<1x128xi32, #tpu.memory_space<vmem>> -> memref<128xi32, #tpu.memory_space<vmem>>
    %dma_start3A_220 = arith.constant 0 : i32
    %dma_start3A_221 = arith.constant 0 : i32
    %dma_start3A_222 = tpu.memref_slice %arg3[%dma_start3A_220, %dma_start3A_221] : memref<100000x64xf32, #tpu.memory_space<hbm>> -> memref<100000x64xf32, #tpu.memory_space<hbm>>
    tpu.enqueue_indirect_dma source(%dma_start3A_222 : memref<100000x64xf32, #tpu.memory_space<hbm>>) target(%dma_start3A_216 : memref<128x64xf32, #tpu.memory_space<vmem>>) offsets(%dma_start3A_219 : memref<128xi32, #tpu.memory_space<vmem>>) semaphore(%arg7 : memref<!tpu.dma_semaphore, #tpu.memory_space<semaphore_mem>>)
    %dma_wait3A_223 = arith.constant 4 : i32
    %dma_wait3A_224 = arith.constant 4 : i32
    %dma_wait3A_225 = arith.constant 0 : i32
    %dma_wait3A_226 = arith.constant 0 : i32
    %dma_wait3A_227 = tpu.memref_slice %arg6[%dma_wait3A_224, %dma_wait3A_225, %dma_wait3A_226] : memref<5x128x64xf32, #tpu.memory_space<vmem>> -> memref<1x128x64xf32, #tpu.memory_space<vmem>>
    %dma_wait3A_228 = tpu.memref_squeeze %dma_wait3A_227 : memref<1x128x64xf32, #tpu.memory_space<vmem>> -> memref<128x64xf32, #tpu.memory_space<vmem>>
    %dma_wait3A_229 = arith.constant 0 : i32
    %dma_wait3A_230 = tpu.memref_slice %arg5[%dma_wait3A_223, %dma_wait3A_229] : memref<50x128xi32, #tpu.memory_space<vmem>> -> memref<1x128xi32, #tpu.memory_space<vmem>>
    %dma_wait3A_231 = tpu.memref_squeeze %dma_wait3A_230 : memref<1x128xi32, #tpu.memory_space<vmem>> -> memref<128xi32, #tpu.memory_space<vmem>>
    %dma_wait3A_232 = arith.constant 0 : i32
    %dma_wait3A_233 = arith.constant 0 : i32
    %dma_wait3A_234 = tpu.memref_slice %arg3[%dma_wait3A_232, %dma_wait3A_233] : memref<100000x64xf32, #tpu.memory_space<hbm>> -> memref<100000x64xf32, #tpu.memory_space<hbm>>
    tpu.wait_indirect_dma semaphore(%arg7 : memref<!tpu.dma_semaphore, #tpu.memory_space<semaphore_mem>>) src(%dma_wait3A_234 : memref<100000x64xf32, #tpu.memory_space<hbm>>) dst(%dma_wait3A_228 : memref<128x64xf32, #tpu.memory_space<vmem>>)
    %add3A_235 = arith.constant 512 : i32
    %add3A_236 = arith.addi %mul3A_2, %add3A_235 : i32
    %dma_start3A_237 = arith.constant 4 : i32
    %dma_start3A_238 = arith.constant 0 : i32
    %dma_start3A_239 = arith.constant 0 : i32
    %dma_start3A_240 = tpu.memref_slice %arg6[%dma_start3A_237, %dma_start3A_238, %dma_start3A_239] : memref<5x128x64xf32, #tpu.memory_space<vmem>> -> memref<1x128x64xf32, #tpu.memory_space<vmem>>
    %dma_start3A_241 = tpu.memref_squeeze %dma_start3A_240 : memref<1x128x64xf32, #tpu.memory_space<vmem>> -> memref<128x64xf32, #tpu.memory_space<vmem>>
    %dma_start3A_242 = arith.constant 0 : i32
    %dma_start3A_243 = tpu.memref_slice %arg4[%add3A_236, %dma_start3A_242] : memref<204800x64xf32, #tpu.memory_space<hbm>> -> memref<128x64xf32, #tpu.memory_space<hbm>>
    %dma_start3A_244 = arith.constant 0 : i32
    %dma_start3A_245 = tpu.memref_slice %arg4[%add3A_236, %dma_start3A_244] : memref<204800x64xf32, #tpu.memory_space<hbm>> -> memref<128x64xf32, #tpu.memory_space<hbm>>
    %dma_start3A_246 = arith.constant 0 : i32
    %dma_start3A_247 = arith.constant 0 : i32
    %dma_start3A_248 = tpu.memref_slice %arg6[%dma_start3A_237, %dma_start3A_246, %dma_start3A_247] : memref<5x128x64xf32, #tpu.memory_space<vmem>> -> memref<1x128x64xf32, #tpu.memory_space<vmem>>
    %dma_start3A_249 = tpu.memref_squeeze %dma_start3A_248 : memref<1x128x64xf32, #tpu.memory_space<vmem>> -> memref<128x64xf32, #tpu.memory_space<vmem>>
    tpu.enqueue_dma source(%dma_start3A_249 : memref<128x64xf32, #tpu.memory_space<vmem>>) target(%dma_start3A_245 : memref<128x64xf32, #tpu.memory_space<hbm>>) target_semaphore(%arg8 : memref<!tpu.dma_semaphore, #tpu.memory_space<semaphore_mem>>)
    %add3A_250 = arith.constant 256 : i32
    %add3A_251 = arith.addi %mul3A_2, %add3A_250 : i32
    %dma_wait3A_252 = arith.constant 2 : i32
    %dma_wait3A_253 = arith.constant 0 : i32
    %dma_wait3A_254 = arith.constant 0 : i32
    %dma_wait3A_255 = tpu.memref_slice %arg6[%dma_wait3A_252, %dma_wait3A_253, %dma_wait3A_254] : memref<5x128x64xf32, #tpu.memory_space<vmem>> -> memref<1x128x64xf32, #tpu.memory_space<vmem>>
    %dma_wait3A_256 = tpu.memref_squeeze %dma_wait3A_255 : memref<1x128x64xf32, #tpu.memory_space<vmem>> -> memref<128x64xf32, #tpu.memory_space<vmem>>
    %dma_wait3A_257 = arith.constant 0 : i32
    %dma_wait3A_258 = tpu.memref_slice %arg4[%add3A_251, %dma_wait3A_257] : memref<204800x64xf32, #tpu.memory_space<hbm>> -> memref<128x64xf32, #tpu.memory_space<hbm>>
    %dma_wait3A_259 = arith.constant 0 : i32
    %dma_wait3A_260 = tpu.memref_slice %arg4[%add3A_251, %dma_wait3A_259] : memref<204800x64xf32, #tpu.memory_space<hbm>> -> memref<128x64xf32, #tpu.memory_space<hbm>>
    %dma_wait3A_261 = arith.constant 0 : i32
    %dma_wait3A_262 = arith.constant 0 : i32
    %dma_wait3A_263 = tpu.memref_slice %arg6[%dma_wait3A_252, %dma_wait3A_261, %dma_wait3A_262] : memref<5x128x64xf32, #tpu.memory_space<vmem>> -> memref<1x128x64xf32, #tpu.memory_space<vmem>>
    %dma_wait3A_264 = tpu.memref_squeeze %dma_wait3A_263 : memref<1x128x64xf32, #tpu.memory_space<vmem>> -> memref<128x64xf32, #tpu.memory_space<vmem>>
    tpu.wait_dma2 semaphore(%arg8 : memref<!tpu.dma_semaphore, #tpu.memory_space<semaphore_mem>>) src(%dma_wait3A_264 : memref<128x64xf32, #tpu.memory_space<vmem>>) dst(%dma_wait3A_260 : memref<128x64xf32, #tpu.memory_space<hbm>>)
    %dma_start3A_265 = arith.constant 7 : i32
    %dma_start3A_266 = arith.constant 2 : i32
    %dma_start3A_267 = arith.constant 0 : i32
    %dma_start3A_268 = arith.constant 0 : i32
    %dma_start3A_269 = tpu.memref_slice %arg6[%dma_start3A_266, %dma_start3A_267, %dma_start3A_268] : memref<5x128x64xf32, #tpu.memory_space<vmem>> -> memref<1x128x64xf32, #tpu.memory_space<vmem>>
    %dma_start3A_270 = tpu.memref_squeeze %dma_start3A_269 : memref<1x128x64xf32, #tpu.memory_space<vmem>> -> memref<128x64xf32, #tpu.memory_space<vmem>>
    %dma_start3A_271 = arith.constant 0 : i32
    %dma_start3A_272 = tpu.memref_slice %arg5[%dma_start3A_265, %dma_start3A_271] : memref<50x128xi32, #tpu.memory_space<vmem>> -> memref<1x128xi32, #tpu.memory_space<vmem>>
    %dma_start3A_273 = tpu.memref_squeeze %dma_start3A_272 : memref<1x128xi32, #tpu.memory_space<vmem>> -> memref<128xi32, #tpu.memory_space<vmem>>
    %dma_start3A_274 = arith.constant 0 : i32
    %dma_start3A_275 = arith.constant 0 : i32
    %dma_start3A_276 = tpu.memref_slice %arg3[%dma_start3A_274, %dma_start3A_275] : memref<100000x64xf32, #tpu.memory_space<hbm>> -> memref<100000x64xf32, #tpu.memory_space<hbm>>
    tpu.enqueue_indirect_dma source(%dma_start3A_276 : memref<100000x64xf32, #tpu.memory_space<hbm>>) target(%dma_start3A_270 : memref<128x64xf32, #tpu.memory_space<vmem>>) offsets(%dma_start3A_273 : memref<128xi32, #tpu.memory_space<vmem>>) semaphore(%arg7 : memref<!tpu.dma_semaphore, #tpu.memory_space<semaphore_mem>>)
    %scan3A = arith.constant 0 : i32
    %scan3A_277 = arith.constant 1 : i32
    %scan3A_278 = arith.constant 8 : i32
    %scan3A_279 = arith.addi %scan3A_277, %scan3A_278 : i32
    %scan3A_280 = arith.constant 1 : i32
    scf.for %scan3A_546 = %scan3A_277 to %scan3A_279 step %scan3A_280  : i32 {
      %mul3A_547 = arith.constant 5 : i32
      %mul3A_548 = arith.muli %scan3A_546, %mul3A_547 : i32
      %add3A_549 = arith.constant 0 : i32
      %add3A_550 = arith.addi %mul3A_548, %add3A_549 : i32
      %dma_wait3A_551 = arith.constant 0 : i32
      %dma_wait3A_552 = arith.constant 0 : i32
      %dma_wait3A_553 = arith.constant 0 : i32
      %dma_wait3A_554 = tpu.memref_slice %arg6[%dma_wait3A_551, %dma_wait3A_552, %dma_wait3A_553] : memref<5x128x64xf32, #tpu.memory_space<vmem>> -> memref<1x128x64xf32, #tpu.memory_space<vmem>>
      %dma_wait3A_555 = tpu.memref_squeeze %dma_wait3A_554 : memref<1x128x64xf32, #tpu.memory_space<vmem>> -> memref<128x64xf32, #tpu.memory_space<vmem>>
      %dma_wait3A_556 = arith.constant 0 : i32
      %dma_wait3A_557 = tpu.memref_slice %arg5[%add3A_550, %dma_wait3A_556] : memref<50x128xi32, #tpu.memory_space<vmem>> -> memref<1x128xi32, #tpu.memory_space<vmem>>
      %dma_wait3A_558 = tpu.memref_squeeze %dma_wait3A_557 : memref<1x128xi32, #tpu.memory_space<vmem>> -> memref<128xi32, #tpu.memory_space<vmem>>
      %dma_wait3A_559 = arith.constant 0 : i32
      %dma_wait3A_560 = arith.constant 0 : i32
      %dma_wait3A_561 = tpu.memref_slice %arg3[%dma_wait3A_559, %dma_wait3A_560] : memref<100000x64xf32, #tpu.memory_space<hbm>> -> memref<100000x64xf32, #tpu.memory_space<hbm>>
      tpu.wait_indirect_dma semaphore(%arg7 : memref<!tpu.dma_semaphore, #tpu.memory_space<semaphore_mem>>) src(%dma_wait3A_561 : memref<100000x64xf32, #tpu.memory_space<hbm>>) dst(%dma_wait3A_555 : memref<128x64xf32, #tpu.memory_space<vmem>>)
      %mul3A_562 = arith.constant 128 : i32
      %mul3A_563 = arith.muli %add3A_550, %mul3A_562 : i32
      %add3A_564 = arith.addi %mul3A_2, %mul3A_563 : i32
      %dma_start3A_565 = arith.constant 0 : i32
      %dma_start3A_566 = arith.constant 0 : i32
      %dma_start3A_567 = arith.constant 0 : i32
      %dma_start3A_568 = tpu.memref_slice %arg6[%dma_start3A_565, %dma_start3A_566, %dma_start3A_567] : memref<5x128x64xf32, #tpu.memory_space<vmem>> -> memref<1x128x64xf32, #tpu.memory_space<vmem>>
      %dma_start3A_569 = tpu.memref_squeeze %dma_start3A_568 : memref<1x128x64xf32, #tpu.memory_space<vmem>> -> memref<128x64xf32, #tpu.memory_space<vmem>>
      %dma_start3A_570 = arith.constant 0 : i32
      %dma_start3A_571 = tpu.memref_slice %arg4[%add3A_564, %dma_start3A_570] : memref<204800x64xf32, #tpu.memory_space<hbm>> -> memref<128x64xf32, #tpu.memory_space<hbm>>
      %dma_start3A_572 = arith.constant 0 : i32
      %dma_start3A_573 = tpu.memref_slice %arg4[%add3A_564, %dma_start3A_572] : memref<204800x64xf32, #tpu.memory_space<hbm>> -> memref<128x64xf32, #tpu.memory_space<hbm>>
      %dma_start3A_574 = arith.constant 0 : i32
      %dma_start3A_575 = arith.constant 0 : i32
      %dma_start3A_576 = tpu.memref_slice %arg6[%dma_start3A_565, %dma_start3A_574, %dma_start3A_575] : memref<5x128x64xf32, #tpu.memory_space<vmem>> -> memref<1x128x64xf32, #tpu.memory_space<vmem>>
      %dma_start3A_577 = tpu.memref_squeeze %dma_start3A_576 : memref<1x128x64xf32, #tpu.memory_space<vmem>> -> memref<128x64xf32, #tpu.memory_space<vmem>>
      tpu.enqueue_dma source(%dma_start3A_577 : memref<128x64xf32, #tpu.memory_space<vmem>>) target(%dma_start3A_573 : memref<128x64xf32, #tpu.memory_space<hbm>>) target_semaphore(%arg8 : memref<!tpu.dma_semaphore, #tpu.memory_space<semaphore_mem>>)
      %sub3A = arith.constant 2 : i32
      %sub3A_578 = arith.subi %add3A_550, %sub3A : i32
      %mul3A_579 = arith.constant 128 : i32
      %mul3A_580 = arith.muli %sub3A_578, %mul3A_579 : i32
      %add3A_581 = arith.addi %mul3A_2, %mul3A_580 : i32
      %dma_wait3A_582 = arith.constant 3 : i32
      %dma_wait3A_583 = arith.constant 0 : i32
      %dma_wait3A_584 = arith.constant 0 : i32
      %dma_wait3A_585 = tpu.memref_slice %arg6[%dma_wait3A_582, %dma_wait3A_583, %dma_wait3A_584] : memref<5x128x64xf32, #tpu.memory_space<vmem>> -> memref<1x128x64xf32, #tpu.memory_space<vmem>>
      %dma_wait3A_586 = tpu.memref_squeeze %dma_wait3A_585 : memref<1x128x64xf32, #tpu.memory_space<vmem>> -> memref<128x64xf32, #tpu.memory_space<vmem>>
      %dma_wait3A_587 = arith.constant 0 : i32
      %dma_wait3A_588 = tpu.memref_slice %arg4[%add3A_581, %dma_wait3A_587] : memref<204800x64xf32, #tpu.memory_space<hbm>> -> memref<128x64xf32, #tpu.memory_space<hbm>>
      %dma_wait3A_589 = arith.constant 0 : i32
      %dma_wait3A_590 = tpu.memref_slice %arg4[%add3A_581, %dma_wait3A_589] : memref<204800x64xf32, #tpu.memory_space<hbm>> -> memref<128x64xf32, #tpu.memory_space<hbm>>
      %dma_wait3A_591 = arith.constant 0 : i32
      %dma_wait3A_592 = arith.constant 0 : i32
      %dma_wait3A_593 = tpu.memref_slice %arg6[%dma_wait3A_582, %dma_wait3A_591, %dma_wait3A_592] : memref<5x128x64xf32, #tpu.memory_space<vmem>> -> memref<1x128x64xf32, #tpu.memory_space<vmem>>
      %dma_wait3A_594 = tpu.memref_squeeze %dma_wait3A_593 : memref<1x128x64xf32, #tpu.memory_space<vmem>> -> memref<128x64xf32, #tpu.memory_space<vmem>>
      tpu.wait_dma2 semaphore(%arg8 : memref<!tpu.dma_semaphore, #tpu.memory_space<semaphore_mem>>) src(%dma_wait3A_594 : memref<128x64xf32, #tpu.memory_space<vmem>>) dst(%dma_wait3A_590 : memref<128x64xf32, #tpu.memory_space<hbm>>)
      %add3A_595 = arith.constant 3 : i32
      %add3A_596 = arith.addi %add3A_550, %add3A_595 : i32
      %dma_start3A_597 = arith.constant 3 : i32
      %dma_start3A_598 = arith.constant 0 : i32
      %dma_start3A_599 = arith.constant 0 : i32
      %dma_start3A_600 = tpu.memref_slice %arg6[%dma_start3A_597, %dma_start3A_598, %dma_start3A_599] : memref<5x128x64xf32, #tpu.memory_space<vmem>> -> memref<1x128x64xf32, #tpu.memory_space<vmem>>
      %dma_start3A_601 = tpu.memref_squeeze %dma_start3A_600 : memref<1x128x64xf32, #tpu.memory_space<vmem>> -> memref<128x64xf32, #tpu.memory_space<vmem>>
      %dma_start3A_602 = arith.constant 0 : i32
      %dma_start3A_603 = tpu.memref_slice %arg5[%add3A_596, %dma_start3A_602] : memref<50x128xi32, #tpu.memory_space<vmem>> -> memref<1x128xi32, #tpu.memory_space<vmem>>
      %dma_start3A_604 = tpu.memref_squeeze %dma_start3A_603 : memref<1x128xi32, #tpu.memory_space<vmem>> -> memref<128xi32, #tpu.memory_space<vmem>>
      %dma_start3A_605 = arith.constant 0 : i32
      %dma_start3A_606 = arith.constant 0 : i32
      %dma_start3A_607 = tpu.memref_slice %arg3[%dma_start3A_605, %dma_start3A_606] : memref<100000x64xf32, #tpu.memory_space<hbm>> -> memref<100000x64xf32, #tpu.memory_space<hbm>>
      tpu.enqueue_indirect_dma source(%dma_start3A_607 : memref<100000x64xf32, #tpu.memory_space<hbm>>) target(%dma_start3A_601 : memref<128x64xf32, #tpu.memory_space<vmem>>) offsets(%dma_start3A_604 : memref<128xi32, #tpu.memory_space<vmem>>) semaphore(%arg7 : memref<!tpu.dma_semaphore, #tpu.memory_space<semaphore_mem>>)
      %add3A_608 = arith.constant 1 : i32
      %add3A_609 = arith.addi %mul3A_548, %add3A_608 : i32
      %dma_wait3A_610 = arith.constant 1 : i32
      %dma_wait3A_611 = arith.constant 0 : i32
      %dma_wait3A_612 = arith.constant 0 : i32
      %dma_wait3A_613 = tpu.memref_slice %arg6[%dma_wait3A_610, %dma_wait3A_611, %dma_wait3A_612] : memref<5x128x64xf32, #tpu.memory_space<vmem>> -> memref<1x128x64xf32, #tpu.memory_space<vmem>>
      %dma_wait3A_614 = tpu.memref_squeeze %dma_wait3A_613 : memref<1x128x64xf32, #tpu.memory_space<vmem>> -> memref<128x64xf32, #tpu.memory_space<vmem>>
      %dma_wait3A_615 = arith.constant 0 : i32
      %dma_wait3A_616 = tpu.memref_slice %arg5[%add3A_609, %dma_wait3A_615] : memref<50x128xi32, #tpu.memory_space<vmem>> -> memref<1x128xi32, #tpu.memory_space<vmem>>
      %dma_wait3A_617 = tpu.memref_squeeze %dma_wait3A_616 : memref<1x128xi32, #tpu.memory_space<vmem>> -> memref<128xi32, #tpu.memory_space<vmem>>
      %dma_wait3A_618 = arith.constant 0 : i32
      %dma_wait3A_619 = arith.constant 0 : i32
      %dma_wait3A_620 = tpu.memref_slice %arg3[%dma_wait3A_618, %dma_wait3A_619] : memref<100000x64xf32, #tpu.memory_space<hbm>> -> memref<100000x64xf32, #tpu.memory_space<hbm>>
      tpu.wait_indirect_dma semaphore(%arg7 : memref<!tpu.dma_semaphore, #tpu.memory_space<semaphore_mem>>) src(%dma_wait3A_620 : memref<100000x64xf32, #tpu.memory_space<hbm>>) dst(%dma_wait3A_614 : memref<128x64xf32, #tpu.memory_space<vmem>>)
      %mul3A_621 = arith.constant 128 : i32
      %mul3A_622 = arith.muli %add3A_609, %mul3A_621 : i32
      %add3A_623 = arith.addi %mul3A_2, %mul3A_622 : i32
      %dma_start3A_624 = arith.constant 1 : i32
      %dma_start3A_625 = arith.constant 0 : i32
      %dma_start3A_626 = arith.constant 0 : i32
      %dma_start3A_627 = tpu.memref_slice %arg6[%dma_start3A_624, %dma_start3A_625, %dma_start3A_626] : memref<5x128x64xf32, #tpu.memory_space<vmem>> -> memref<1x128x64xf32, #tpu.memory_space<vmem>>
      %dma_start3A_628 = tpu.memref_squeeze %dma_start3A_627 : memref<1x128x64xf32, #tpu.memory_space<vmem>> -> memref<128x64xf32, #tpu.memory_space<vmem>>
      %dma_start3A_629 = arith.constant 0 : i32
      %dma_start3A_630 = tpu.memref_slice %arg4[%add3A_623, %dma_start3A_629] : memref<204800x64xf32, #tpu.memory_space<hbm>> -> memref<128x64xf32, #tpu.memory_space<hbm>>
      %dma_start3A_631 = arith.constant 0 : i32
      %dma_start3A_632 = tpu.memref_slice %arg4[%add3A_623, %dma_start3A_631] : memref<204800x64xf32, #tpu.memory_space<hbm>> -> memref<128x64xf32, #tpu.memory_space<hbm>>
      %dma_start3A_633 = arith.constant 0 : i32
      %dma_start3A_634 = arith.constant 0 : i32
      %dma_start3A_635 = tpu.memref_slice %arg6[%dma_start3A_624, %dma_start3A_633, %dma_start3A_634] : memref<5x128x64xf32, #tpu.memory_space<vmem>> -> memref<1x128x64xf32, #tpu.memory_space<vmem>>
      %dma_start3A_636 = tpu.memref_squeeze %dma_start3A_635 : memref<1x128x64xf32, #tpu.memory_space<vmem>> -> memref<128x64xf32, #tpu.memory_space<vmem>>
      tpu.enqueue_dma source(%dma_start3A_636 : memref<128x64xf32, #tpu.memory_space<vmem>>) target(%dma_start3A_632 : memref<128x64xf32, #tpu.memory_space<hbm>>) target_semaphore(%arg8 : memref<!tpu.dma_semaphore, #tpu.memory_space<semaphore_mem>>)
      %sub3A_637 = arith.constant 2 : i32
      %sub3A_638 = arith.subi %add3A_609, %sub3A_637 : i32
      %mul3A_639 = arith.constant 128 : i32
      %mul3A_640 = arith.muli %sub3A_638, %mul3A_639 : i32
      %add3A_641 = arith.addi %mul3A_2, %mul3A_640 : i32
      %dma_wait3A_642 = arith.constant 4 : i32
      %dma_wait3A_643 = arith.constant 0 : i32
      %dma_wait3A_644 = arith.constant 0 : i32
      %dma_wait3A_645 = tpu.memref_slice %arg6[%dma_wait3A_642, %dma_wait3A_643, %dma_wait3A_644] : memref<5x128x64xf32, #tpu.memory_space<vmem>> -> memref<1x128x64xf32, #tpu.memory_space<vmem>>
      %dma_wait3A_646 = tpu.memref_squeeze %dma_wait3A_645 : memref<1x128x64xf32, #tpu.memory_space<vmem>> -> memref<128x64xf32, #tpu.memory_space<vmem>>
      %dma_wait3A_647 = arith.constant 0 : i32
      %dma_wait3A_648 = tpu.memref_slice %arg4[%add3A_641, %dma_wait3A_647] : memref<204800x64xf32, #tpu.memory_space<hbm>> -> memref<128x64xf32, #tpu.memory_space<hbm>>
      %dma_wait3A_649 = arith.constant 0 : i32
      %dma_wait3A_650 = tpu.memref_slice %arg4[%add3A_641, %dma_wait3A_649] : memref<204800x64xf32, #tpu.memory_space<hbm>> -> memref<128x64xf32, #tpu.memory_space<hbm>>
      %dma_wait3A_651 = arith.constant 0 : i32
      %dma_wait3A_652 = arith.constant 0 : i32
      %dma_wait3A_653 = tpu.memref_slice %arg6[%dma_wait3A_642, %dma_wait3A_651, %dma_wait3A_652] : memref<5x128x64xf32, #tpu.memory_space<vmem>> -> memref<1x128x64xf32, #tpu.memory_space<vmem>>
      %dma_wait3A_654 = tpu.memref_squeeze %dma_wait3A_653 : memref<1x128x64xf32, #tpu.memory_space<vmem>> -> memref<128x64xf32, #tpu.memory_space<vmem>>
      tpu.wait_dma2 semaphore(%arg8 : memref<!tpu.dma_semaphore, #tpu.memory_space<semaphore_mem>>) src(%dma_wait3A_654 : memref<128x64xf32, #tpu.memory_space<vmem>>) dst(%dma_wait3A_650 : memref<128x64xf32, #tpu.memory_space<hbm>>)
      %add3A_655 = arith.constant 3 : i32
      %add3A_656 = arith.addi %add3A_609, %add3A_655 : i32
      %dma_start3A_657 = arith.constant 4 : i32
      %dma_start3A_658 = arith.constant 0 : i32
      %dma_start3A_659 = arith.constant 0 : i32
      %dma_start3A_660 = tpu.memref_slice %arg6[%dma_start3A_657, %dma_start3A_658, %dma_start3A_659] : memref<5x128x64xf32, #tpu.memory_space<vmem>> -> memref<1x128x64xf32, #tpu.memory_space<vmem>>
      %dma_start3A_661 = tpu.memref_squeeze %dma_start3A_660 : memref<1x128x64xf32, #tpu.memory_space<vmem>> -> memref<128x64xf32, #tpu.memory_space<vmem>>
      %dma_start3A_662 = arith.constant 0 : i32
      %dma_start3A_663 = tpu.memref_slice %arg5[%add3A_656, %dma_start3A_662] : memref<50x128xi32, #tpu.memory_space<vmem>> -> memref<1x128xi32, #tpu.memory_space<vmem>>
      %dma_start3A_664 = tpu.memref_squeeze %dma_start3A_663 : memref<1x128xi32, #tpu.memory_space<vmem>> -> memref<128xi32, #tpu.memory_space<vmem>>
      %dma_start3A_665 = arith.constant 0 : i32
      %dma_start3A_666 = arith.constant 0 : i32
      %dma_start3A_667 = tpu.memref_slice %arg3[%dma_start3A_665, %dma_start3A_666] : memref<100000x64xf32, #tpu.memory_space<hbm>> -> memref<100000x64xf32, #tpu.memory_space<hbm>>
      tpu.enqueue_indirect_dma source(%dma_start3A_667 : memref<100000x64xf32, #tpu.memory_space<hbm>>) target(%dma_start3A_661 : memref<128x64xf32, #tpu.memory_space<vmem>>) offsets(%dma_start3A_664 : memref<128xi32, #tpu.memory_space<vmem>>) semaphore(%arg7 : memref<!tpu.dma_semaphore, #tpu.memory_space<semaphore_mem>>)
      %add3A_668 = arith.constant 2 : i32
      %add3A_669 = arith.addi %mul3A_548, %add3A_668 : i32
      %dma_wait3A_670 = arith.constant 2 : i32
      %dma_wait3A_671 = arith.constant 0 : i32
      %dma_wait3A_672 = arith.constant 0 : i32
      %dma_wait3A_673 = tpu.memref_slice %arg6[%dma_wait3A_670, %dma_wait3A_671, %dma_wait3A_672] : memref<5x128x64xf32, #tpu.memory_space<vmem>> -> memref<1x128x64xf32, #tpu.memory_space<vmem>>
      %dma_wait3A_674 = tpu.memref_squeeze %dma_wait3A_673 : memref<1x128x64xf32, #tpu.memory_space<vmem>> -> memref<128x64xf32, #tpu.memory_space<vmem>>
      %dma_wait3A_675 = arith.constant 0 : i32
      %dma_wait3A_676 = tpu.memref_slice %arg5[%add3A_669, %dma_wait3A_675] : memref<50x128xi32, #tpu.memory_space<vmem>> -> memref<1x128xi32, #tpu.memory_space<vmem>>
      %dma_wait3A_677 = tpu.memref_squeeze %dma_wait3A_676 : memref<1x128xi32, #tpu.memory_space<vmem>> -> memref<128xi32, #tpu.memory_space<vmem>>
      %dma_wait3A_678 = arith.constant 0 : i32
      %dma_wait3A_679 = arith.constant 0 : i32
      %dma_wait3A_680 = tpu.memref_slice %arg3[%dma_wait3A_678, %dma_wait3A_679] : memref<100000x64xf32, #tpu.memory_space<hbm>> -> memref<100000x64xf32, #tpu.memory_space<hbm>>
      tpu.wait_indirect_dma semaphore(%arg7 : memref<!tpu.dma_semaphore, #tpu.memory_space<semaphore_mem>>) src(%dma_wait3A_680 : memref<100000x64xf32, #tpu.memory_space<hbm>>) dst(%dma_wait3A_674 : memref<128x64xf32, #tpu.memory_space<vmem>>)
      %mul3A_681 = arith.constant 128 : i32
      %mul3A_682 = arith.muli %add3A_669, %mul3A_681 : i32
      %add3A_683 = arith.addi %mul3A_2, %mul3A_682 : i32
      %dma_start3A_684 = arith.constant 2 : i32
      %dma_start3A_685 = arith.constant 0 : i32
      %dma_start3A_686 = arith.constant 0 : i32
      %dma_start3A_687 = tpu.memref_slice %arg6[%dma_start3A_684, %dma_start3A_685, %dma_start3A_686] : memref<5x128x64xf32, #tpu.memory_space<vmem>> -> memref<1x128x64xf32, #tpu.memory_space<vmem>>
      %dma_start3A_688 = tpu.memref_squeeze %dma_start3A_687 : memref<1x128x64xf32, #tpu.memory_space<vmem>> -> memref<128x64xf32, #tpu.memory_space<vmem>>
      %dma_start3A_689 = arith.constant 0 : i32
      %dma_start3A_690 = tpu.memref_slice %arg4[%add3A_683, %dma_start3A_689] : memref<204800x64xf32, #tpu.memory_space<hbm>> -> memref<128x64xf32, #tpu.memory_space<hbm>>
      %dma_start3A_691 = arith.constant 0 : i32
      %dma_start3A_692 = tpu.memref_slice %arg4[%add3A_683, %dma_start3A_691] : memref<204800x64xf32, #tpu.memory_space<hbm>> -> memref<128x64xf32, #tpu.memory_space<hbm>>
      %dma_start3A_693 = arith.constant 0 : i32
      %dma_start3A_694 = arith.constant 0 : i32
      %dma_start3A_695 = tpu.memref_slice %arg6[%dma_start3A_684, %dma_start3A_693, %dma_start3A_694] : memref<5x128x64xf32, #tpu.memory_space<vmem>> -> memref<1x128x64xf32, #tpu.memory_space<vmem>>
      %dma_start3A_696 = tpu.memref_squeeze %dma_start3A_695 : memref<1x128x64xf32, #tpu.memory_space<vmem>> -> memref<128x64xf32, #tpu.memory_space<vmem>>
      tpu.enqueue_dma source(%dma_start3A_696 : memref<128x64xf32, #tpu.memory_space<vmem>>) target(%dma_start3A_692 : memref<128x64xf32, #tpu.memory_space<hbm>>) target_semaphore(%arg8 : memref<!tpu.dma_semaphore, #tpu.memory_space<semaphore_mem>>)
      %sub3A_697 = arith.constant 2 : i32
      %sub3A_698 = arith.subi %add3A_669, %sub3A_697 : i32
      %mul3A_699 = arith.constant 128 : i32
      %mul3A_700 = arith.muli %sub3A_698, %mul3A_699 : i32
      %add3A_701 = arith.addi %mul3A_2, %mul3A_700 : i32
      %dma_wait3A_702 = arith.constant 0 : i32
      %dma_wait3A_703 = arith.constant 0 : i32
      %dma_wait3A_704 = arith.constant 0 : i32
      %dma_wait3A_705 = tpu.memref_slice %arg6[%dma_wait3A_702, %dma_wait3A_703, %dma_wait3A_704] : memref<5x128x64xf32, #tpu.memory_space<vmem>> -> memref<1x128x64xf32, #tpu.memory_space<vmem>>
      %dma_wait3A_706 = tpu.memref_squeeze %dma_wait3A_705 : memref<1x128x64xf32, #tpu.memory_space<vmem>> -> memref<128x64xf32, #tpu.memory_space<vmem>>
      %dma_wait3A_707 = arith.constant 0 : i32
      %dma_wait3A_708 = tpu.memref_slice %arg4[%add3A_701, %dma_wait3A_707] : memref<204800x64xf32, #tpu.memory_space<hbm>> -> memref<128x64xf32, #tpu.memory_space<hbm>>
      %dma_wait3A_709 = arith.constant 0 : i32
      %dma_wait3A_710 = tpu.memref_slice %arg4[%add3A_701, %dma_wait3A_709] : memref<204800x64xf32, #tpu.memory_space<hbm>> -> memref<128x64xf32, #tpu.memory_space<hbm>>
      %dma_wait3A_711 = arith.constant 0 : i32
      %dma_wait3A_712 = arith.constant 0 : i32
      %dma_wait3A_713 = tpu.memref_slice %arg6[%dma_wait3A_702, %dma_wait3A_711, %dma_wait3A_712] : memref<5x128x64xf32, #tpu.memory_space<vmem>> -> memref<1x128x64xf32, #tpu.memory_space<vmem>>
      %dma_wait3A_714 = tpu.memref_squeeze %dma_wait3A_713 : memref<1x128x64xf32, #tpu.memory_space<vmem>> -> memref<128x64xf32, #tpu.memory_space<vmem>>
      tpu.wait_dma2 semaphore(%arg8 : memref<!tpu.dma_semaphore, #tpu.memory_space<semaphore_mem>>) src(%dma_wait3A_714 : memref<128x64xf32, #tpu.memory_space<vmem>>) dst(%dma_wait3A_710 : memref<128x64xf32, #tpu.memory_space<hbm>>)
      %add3A_715 = arith.constant 3 : i32
      %add3A_716 = arith.addi %add3A_669, %add3A_715 : i32
      %dma_start3A_717 = arith.constant 0 : i32
      %dma_start3A_718 = arith.constant 0 : i32
      %dma_start3A_719 = arith.constant 0 : i32
      %dma_start3A_720 = tpu.memref_slice %arg6[%dma_start3A_717, %dma_start3A_718, %dma_start3A_719] : memref<5x128x64xf32, #tpu.memory_space<vmem>> -> memref<1x128x64xf32, #tpu.memory_space<vmem>>
      %dma_start3A_721 = tpu.memref_squeeze %dma_start3A_720 : memref<1x128x64xf32, #tpu.memory_space<vmem>> -> memref<128x64xf32, #tpu.memory_space<vmem>>
      %dma_start3A_722 = arith.constant 0 : i32
      %dma_start3A_723 = tpu.memref_slice %arg5[%add3A_716, %dma_start3A_722] : memref<50x128xi32, #tpu.memory_space<vmem>> -> memref<1x128xi32, #tpu.memory_space<vmem>>
      %dma_start3A_724 = tpu.memref_squeeze %dma_start3A_723 : memref<1x128xi32, #tpu.memory_space<vmem>> -> memref<128xi32, #tpu.memory_space<vmem>>
      %dma_start3A_725 = arith.constant 0 : i32
      %dma_start3A_726 = arith.constant 0 : i32
      %dma_start3A_727 = tpu.memref_slice %arg3[%dma_start3A_725, %dma_start3A_726] : memref<100000x64xf32, #tpu.memory_space<hbm>> -> memref<100000x64xf32, #tpu.memory_space<hbm>>
      tpu.enqueue_indirect_dma source(%dma_start3A_727 : memref<100000x64xf32, #tpu.memory_space<hbm>>) target(%dma_start3A_721 : memref<128x64xf32, #tpu.memory_space<vmem>>) offsets(%dma_start3A_724 : memref<128xi32, #tpu.memory_space<vmem>>) semaphore(%arg7 : memref<!tpu.dma_semaphore, #tpu.memory_space<semaphore_mem>>)
      %add3A_728 = arith.constant 3 : i32
      %add3A_729 = arith.addi %mul3A_548, %add3A_728 : i32
      %dma_wait3A_730 = arith.constant 3 : i32
      %dma_wait3A_731 = arith.constant 0 : i32
      %dma_wait3A_732 = arith.constant 0 : i32
      %dma_wait3A_733 = tpu.memref_slice %arg6[%dma_wait3A_730, %dma_wait3A_731, %dma_wait3A_732] : memref<5x128x64xf32, #tpu.memory_space<vmem>> -> memref<1x128x64xf32, #tpu.memory_space<vmem>>
      %dma_wait3A_734 = tpu.memref_squeeze %dma_wait3A_733 : memref<1x128x64xf32, #tpu.memory_space<vmem>> -> memref<128x64xf32, #tpu.memory_space<vmem>>
      %dma_wait3A_735 = arith.constant 0 : i32
      %dma_wait3A_736 = tpu.memref_slice %arg5[%add3A_729, %dma_wait3A_735] : memref<50x128xi32, #tpu.memory_space<vmem>> -> memref<1x128xi32, #tpu.memory_space<vmem>>
      %dma_wait3A_737 = tpu.memref_squeeze %dma_wait3A_736 : memref<1x128xi32, #tpu.memory_space<vmem>> -> memref<128xi32, #tpu.memory_space<vmem>>
      %dma_wait3A_738 = arith.constant 0 : i32
      %dma_wait3A_739 = arith.constant 0 : i32
      %dma_wait3A_740 = tpu.memref_slice %arg3[%dma_wait3A_738, %dma_wait3A_739] : memref<100000x64xf32, #tpu.memory_space<hbm>> -> memref<100000x64xf32, #tpu.memory_space<hbm>>
      tpu.wait_indirect_dma semaphore(%arg7 : memref<!tpu.dma_semaphore, #tpu.memory_space<semaphore_mem>>) src(%dma_wait3A_740 : memref<100000x64xf32, #tpu.memory_space<hbm>>) dst(%dma_wait3A_734 : memref<128x64xf32, #tpu.memory_space<vmem>>)
      %mul3A_741 = arith.constant 128 : i32
      %mul3A_742 = arith.muli %add3A_729, %mul3A_741 : i32
      %add3A_743 = arith.addi %mul3A_2, %mul3A_742 : i32
      %dma_start3A_744 = arith.constant 3 : i32
      %dma_start3A_745 = arith.constant 0 : i32
      %dma_start3A_746 = arith.constant 0 : i32
      %dma_start3A_747 = tpu.memref_slice %arg6[%dma_start3A_744, %dma_start3A_745, %dma_start3A_746] : memref<5x128x64xf32, #tpu.memory_space<vmem>> -> memref<1x128x64xf32, #tpu.memory_space<vmem>>
      %dma_start3A_748 = tpu.memref_squeeze %dma_start3A_747 : memref<1x128x64xf32, #tpu.memory_space<vmem>> -> memref<128x64xf32, #tpu.memory_space<vmem>>
      %dma_start3A_749 = arith.constant 0 : i32
      %dma_start3A_750 = tpu.memref_slice %arg4[%add3A_743, %dma_start3A_749] : memref<204800x64xf32, #tpu.memory_space<hbm>> -> memref<128x64xf32, #tpu.memory_space<hbm>>
      %dma_start3A_751 = arith.constant 0 : i32
      %dma_start3A_752 = tpu.memref_slice %arg4[%add3A_743, %dma_start3A_751] : memref<204800x64xf32, #tpu.memory_space<hbm>> -> memref<128x64xf32, #tpu.memory_space<hbm>>
      %dma_start3A_753 = arith.constant 0 : i32
      %dma_start3A_754 = arith.constant 0 : i32
      %dma_start3A_755 = tpu.memref_slice %arg6[%dma_start3A_744, %dma_start3A_753, %dma_start3A_754] : memref<5x128x64xf32, #tpu.memory_space<vmem>> -> memref<1x128x64xf32, #tpu.memory_space<vmem>>
      %dma_start3A_756 = tpu.memref_squeeze %dma_start3A_755 : memref<1x128x64xf32, #tpu.memory_space<vmem>> -> memref<128x64xf32, #tpu.memory_space<vmem>>
      tpu.enqueue_dma source(%dma_start3A_756 : memref<128x64xf32, #tpu.memory_space<vmem>>) target(%dma_start3A_752 : memref<128x64xf32, #tpu.memory_space<hbm>>) target_semaphore(%arg8 : memref<!tpu.dma_semaphore, #tpu.memory_space<semaphore_mem>>)
      %sub3A_757 = arith.constant 2 : i32
      %sub3A_758 = arith.subi %add3A_729, %sub3A_757 : i32
      %mul3A_759 = arith.constant 128 : i32
      %mul3A_760 = arith.muli %sub3A_758, %mul3A_759 : i32
      %add3A_761 = arith.addi %mul3A_2, %mul3A_760 : i32
      %dma_wait3A_762 = arith.constant 1 : i32
      %dma_wait3A_763 = arith.constant 0 : i32
      %dma_wait3A_764 = arith.constant 0 : i32
      %dma_wait3A_765 = tpu.memref_slice %arg6[%dma_wait3A_762, %dma_wait3A_763, %dma_wait3A_764] : memref<5x128x64xf32, #tpu.memory_space<vmem>> -> memref<1x128x64xf32, #tpu.memory_space<vmem>>
      %dma_wait3A_766 = tpu.memref_squeeze %dma_wait3A_765 : memref<1x128x64xf32, #tpu.memory_space<vmem>> -> memref<128x64xf32, #tpu.memory_space<vmem>>
      %dma_wait3A_767 = arith.constant 0 : i32
      %dma_wait3A_768 = tpu.memref_slice %arg4[%add3A_761, %dma_wait3A_767] : memref<204800x64xf32, #tpu.memory_space<hbm>> -> memref<128x64xf32, #tpu.memory_space<hbm>>
      %dma_wait3A_769 = arith.constant 0 : i32
      %dma_wait3A_770 = tpu.memref_slice %arg4[%add3A_761, %dma_wait3A_769] : memref<204800x64xf32, #tpu.memory_space<hbm>> -> memref<128x64xf32, #tpu.memory_space<hbm>>
      %dma_wait3A_771 = arith.constant 0 : i32
      %dma_wait3A_772 = arith.constant 0 : i32
      %dma_wait3A_773 = tpu.memref_slice %arg6[%dma_wait3A_762, %dma_wait3A_771, %dma_wait3A_772] : memref<5x128x64xf32, #tpu.memory_space<vmem>> -> memref<1x128x64xf32, #tpu.memory_space<vmem>>
      %dma_wait3A_774 = tpu.memref_squeeze %dma_wait3A_773 : memref<1x128x64xf32, #tpu.memory_space<vmem>> -> memref<128x64xf32, #tpu.memory_space<vmem>>
      tpu.wait_dma2 semaphore(%arg8 : memref<!tpu.dma_semaphore, #tpu.memory_space<semaphore_mem>>) src(%dma_wait3A_774 : memref<128x64xf32, #tpu.memory_space<vmem>>) dst(%dma_wait3A_770 : memref<128x64xf32, #tpu.memory_space<hbm>>)
      %add3A_775 = arith.constant 3 : i32
      %add3A_776 = arith.addi %add3A_729, %add3A_775 : i32
      %dma_start3A_777 = arith.constant 1 : i32
      %dma_start3A_778 = arith.constant 0 : i32
      %dma_start3A_779 = arith.constant 0 : i32
      %dma_start3A_780 = tpu.memref_slice %arg6[%dma_start3A_777, %dma_start3A_778, %dma_start3A_779] : memref<5x128x64xf32, #tpu.memory_space<vmem>> -> memref<1x128x64xf32, #tpu.memory_space<vmem>>
      %dma_start3A_781 = tpu.memref_squeeze %dma_start3A_780 : memref<1x128x64xf32, #tpu.memory_space<vmem>> -> memref<128x64xf32, #tpu.memory_space<vmem>>
      %dma_start3A_782 = arith.constant 0 : i32
      %dma_start3A_783 = tpu.memref_slice %arg5[%add3A_776, %dma_start3A_782] : memref<50x128xi32, #tpu.memory_space<vmem>> -> memref<1x128xi32, #tpu.memory_space<vmem>>
      %dma_start3A_784 = tpu.memref_squeeze %dma_start3A_783 : memref<1x128xi32, #tpu.memory_space<vmem>> -> memref<128xi32, #tpu.memory_space<vmem>>
      %dma_start3A_785 = arith.constant 0 : i32
      %dma_start3A_786 = arith.constant 0 : i32
      %dma_start3A_787 = tpu.memref_slice %arg3[%dma_start3A_785, %dma_start3A_786] : memref<100000x64xf32, #tpu.memory_space<hbm>> -> memref<100000x64xf32, #tpu.memory_space<hbm>>
      tpu.enqueue_indirect_dma source(%dma_start3A_787 : memref<100000x64xf32, #tpu.memory_space<hbm>>) target(%dma_start3A_781 : memref<128x64xf32, #tpu.memory_space<vmem>>) offsets(%dma_start3A_784 : memref<128xi32, #tpu.memory_space<vmem>>) semaphore(%arg7 : memref<!tpu.dma_semaphore, #tpu.memory_space<semaphore_mem>>)
      %add3A_788 = arith.constant 4 : i32
      %add3A_789 = arith.addi %mul3A_548, %add3A_788 : i32
      %dma_wait3A_790 = arith.constant 4 : i32
      %dma_wait3A_791 = arith.constant 0 : i32
      %dma_wait3A_792 = arith.constant 0 : i32
      %dma_wait3A_793 = tpu.memref_slice %arg6[%dma_wait3A_790, %dma_wait3A_791, %dma_wait3A_792] : memref<5x128x64xf32, #tpu.memory_space<vmem>> -> memref<1x128x64xf32, #tpu.memory_space<vmem>>
      %dma_wait3A_794 = tpu.memref_squeeze %dma_wait3A_793 : memref<1x128x64xf32, #tpu.memory_space<vmem>> -> memref<128x64xf32, #tpu.memory_space<vmem>>
      %dma_wait3A_795 = arith.constant 0 : i32
      %dma_wait3A_796 = tpu.memref_slice %arg5[%add3A_789, %dma_wait3A_795] : memref<50x128xi32, #tpu.memory_space<vmem>> -> memref<1x128xi32, #tpu.memory_space<vmem>>
      %dma_wait3A_797 = tpu.memref_squeeze %dma_wait3A_796 : memref<1x128xi32, #tpu.memory_space<vmem>> -> memref<128xi32, #tpu.memory_space<vmem>>
      %dma_wait3A_798 = arith.constant 0 : i32
      %dma_wait3A_799 = arith.constant 0 : i32
      %dma_wait3A_800 = tpu.memref_slice %arg3[%dma_wait3A_798, %dma_wait3A_799] : memref<100000x64xf32, #tpu.memory_space<hbm>> -> memref<100000x64xf32, #tpu.memory_space<hbm>>
      tpu.wait_indirect_dma semaphore(%arg7 : memref<!tpu.dma_semaphore, #tpu.memory_space<semaphore_mem>>) src(%dma_wait3A_800 : memref<100000x64xf32, #tpu.memory_space<hbm>>) dst(%dma_wait3A_794 : memref<128x64xf32, #tpu.memory_space<vmem>>)
      %mul3A_801 = arith.constant 128 : i32
      %mul3A_802 = arith.muli %add3A_789, %mul3A_801 : i32
      %add3A_803 = arith.addi %mul3A_2, %mul3A_802 : i32
      %dma_start3A_804 = arith.constant 4 : i32
      %dma_start3A_805 = arith.constant 0 : i32
      %dma_start3A_806 = arith.constant 0 : i32
      %dma_start3A_807 = tpu.memref_slice %arg6[%dma_start3A_804, %dma_start3A_805, %dma_start3A_806] : memref<5x128x64xf32, #tpu.memory_space<vmem>> -> memref<1x128x64xf32, #tpu.memory_space<vmem>>
      %dma_start3A_808 = tpu.memref_squeeze %dma_start3A_807 : memref<1x128x64xf32, #tpu.memory_space<vmem>> -> memref<128x64xf32, #tpu.memory_space<vmem>>
      %dma_start3A_809 = arith.constant 0 : i32
      %dma_start3A_810 = tpu.memref_slice %arg4[%add3A_803, %dma_start3A_809] : memref<204800x64xf32, #tpu.memory_space<hbm>> -> memref<128x64xf32, #tpu.memory_space<hbm>>
      %dma_start3A_811 = arith.constant 0 : i32
      %dma_start3A_812 = tpu.memref_slice %arg4[%add3A_803, %dma_start3A_811] : memref<204800x64xf32, #tpu.memory_space<hbm>> -> memref<128x64xf32, #tpu.memory_space<hbm>>
      %dma_start3A_813 = arith.constant 0 : i32
      %dma_start3A_814 = arith.constant 0 : i32
      %dma_start3A_815 = tpu.memref_slice %arg6[%dma_start3A_804, %dma_start3A_813, %dma_start3A_814] : memref<5x128x64xf32, #tpu.memory_space<vmem>> -> memref<1x128x64xf32, #tpu.memory_space<vmem>>
      %dma_start3A_816 = tpu.memref_squeeze %dma_start3A_815 : memref<1x128x64xf32, #tpu.memory_space<vmem>> -> memref<128x64xf32, #tpu.memory_space<vmem>>
      tpu.enqueue_dma source(%dma_start3A_816 : memref<128x64xf32, #tpu.memory_space<vmem>>) target(%dma_start3A_812 : memref<128x64xf32, #tpu.memory_space<hbm>>) target_semaphore(%arg8 : memref<!tpu.dma_semaphore, #tpu.memory_space<semaphore_mem>>)
      %sub3A_817 = arith.constant 2 : i32
      %sub3A_818 = arith.subi %add3A_789, %sub3A_817 : i32
      %mul3A_819 = arith.constant 128 : i32
      %mul3A_820 = arith.muli %sub3A_818, %mul3A_819 : i32
      %add3A_821 = arith.addi %mul3A_2, %mul3A_820 : i32
      %dma_wait3A_822 = arith.constant 2 : i32
      %dma_wait3A_823 = arith.constant 0 : i32
      %dma_wait3A_824 = arith.constant 0 : i32
      %dma_wait3A_825 = tpu.memref_slice %arg6[%dma_wait3A_822, %dma_wait3A_823, %dma_wait3A_824] : memref<5x128x64xf32, #tpu.memory_space<vmem>> -> memref<1x128x64xf32, #tpu.memory_space<vmem>>
      %dma_wait3A_826 = tpu.memref_squeeze %dma_wait3A_825 : memref<1x128x64xf32, #tpu.memory_space<vmem>> -> memref<128x64xf32, #tpu.memory_space<vmem>>
      %dma_wait3A_827 = arith.constant 0 : i32
      %dma_wait3A_828 = tpu.memref_slice %arg4[%add3A_821, %dma_wait3A_827] : memref<204800x64xf32, #tpu.memory_space<hbm>> -> memref<128x64xf32, #tpu.memory_space<hbm>>
      %dma_wait3A_829 = arith.constant 0 : i32
      %dma_wait3A_830 = tpu.memref_slice %arg4[%add3A_821, %dma_wait3A_829] : memref<204800x64xf32, #tpu.memory_space<hbm>> -> memref<128x64xf32, #tpu.memory_space<hbm>>
      %dma_wait3A_831 = arith.constant 0 : i32
      %dma_wait3A_832 = arith.constant 0 : i32
      %dma_wait3A_833 = tpu.memref_slice %arg6[%dma_wait3A_822, %dma_wait3A_831, %dma_wait3A_832] : memref<5x128x64xf32, #tpu.memory_space<vmem>> -> memref<1x128x64xf32, #tpu.memory_space<vmem>>
      %dma_wait3A_834 = tpu.memref_squeeze %dma_wait3A_833 : memref<1x128x64xf32, #tpu.memory_space<vmem>> -> memref<128x64xf32, #tpu.memory_space<vmem>>
      tpu.wait_dma2 semaphore(%arg8 : memref<!tpu.dma_semaphore, #tpu.memory_space<semaphore_mem>>) src(%dma_wait3A_834 : memref<128x64xf32, #tpu.memory_space<vmem>>) dst(%dma_wait3A_830 : memref<128x64xf32, #tpu.memory_space<hbm>>)
      %add3A_835 = arith.constant 3 : i32
      %add3A_836 = arith.addi %add3A_789, %add3A_835 : i32
      %dma_start3A_837 = arith.constant 2 : i32
      %dma_start3A_838 = arith.constant 0 : i32
      %dma_start3A_839 = arith.constant 0 : i32
      %dma_start3A_840 = tpu.memref_slice %arg6[%dma_start3A_837, %dma_start3A_838, %dma_start3A_839] : memref<5x128x64xf32, #tpu.memory_space<vmem>> -> memref<1x128x64xf32, #tpu.memory_space<vmem>>
      %dma_start3A_841 = tpu.memref_squeeze %dma_start3A_840 : memref<1x128x64xf32, #tpu.memory_space<vmem>> -> memref<128x64xf32, #tpu.memory_space<vmem>>
      %dma_start3A_842 = arith.constant 0 : i32
      %dma_start3A_843 = tpu.memref_slice %arg5[%add3A_836, %dma_start3A_842] : memref<50x128xi32, #tpu.memory_space<vmem>> -> memref<1x128xi32, #tpu.memory_space<vmem>>
      %dma_start3A_844 = tpu.memref_squeeze %dma_start3A_843 : memref<1x128xi32, #tpu.memory_space<vmem>> -> memref<128xi32, #tpu.memory_space<vmem>>
      %dma_start3A_845 = arith.constant 0 : i32
      %dma_start3A_846 = arith.constant 0 : i32
      %dma_start3A_847 = tpu.memref_slice %arg3[%dma_start3A_845, %dma_start3A_846] : memref<100000x64xf32, #tpu.memory_space<hbm>> -> memref<100000x64xf32, #tpu.memory_space<hbm>>
      tpu.enqueue_indirect_dma source(%dma_start3A_847 : memref<100000x64xf32, #tpu.memory_space<hbm>>) target(%dma_start3A_841 : memref<128x64xf32, #tpu.memory_space<vmem>>) offsets(%dma_start3A_844 : memref<128xi32, #tpu.memory_space<vmem>>) semaphore(%arg7 : memref<!tpu.dma_semaphore, #tpu.memory_space<semaphore_mem>>)
    }
    %scan3A_281 = arith.constant 8 : i32
    %dma_wait3A_282 = arith.constant 45 : i32
    %dma_wait3A_283 = arith.constant 0 : i32
    %dma_wait3A_284 = arith.constant 0 : i32
    %dma_wait3A_285 = arith.constant 0 : i32
    %dma_wait3A_286 = tpu.memref_slice %arg6[%dma_wait3A_283, %dma_wait3A_284, %dma_wait3A_285] : memref<5x128x64xf32, #tpu.memory_space<vmem>> -> memref<1x128x64xf32, #tpu.memory_space<vmem>>
    %dma_wait3A_287 = tpu.memref_squeeze %dma_wait3A_286 : memref<1x128x64xf32, #tpu.memory_space<vmem>> -> memref<128x64xf32, #tpu.memory_space<vmem>>
    %dma_wait3A_288 = arith.constant 0 : i32
    %dma_wait3A_289 = tpu.memref_slice %arg5[%dma_wait3A_282, %dma_wait3A_288] : memref<50x128xi32, #tpu.memory_space<vmem>> -> memref<1x128xi32, #tpu.memory_space<vmem>>
    %dma_wait3A_290 = tpu.memref_squeeze %dma_wait3A_289 : memref<1x128xi32, #tpu.memory_space<vmem>> -> memref<128xi32, #tpu.memory_space<vmem>>
    %dma_wait3A_291 = arith.constant 0 : i32
    %dma_wait3A_292 = arith.constant 0 : i32
    %dma_wait3A_293 = tpu.memref_slice %arg3[%dma_wait3A_291, %dma_wait3A_292] : memref<100000x64xf32, #tpu.memory_space<hbm>> -> memref<100000x64xf32, #tpu.memory_space<hbm>>
    tpu.wait_indirect_dma semaphore(%arg7 : memref<!tpu.dma_semaphore, #tpu.memory_space<semaphore_mem>>) src(%dma_wait3A_293 : memref<100000x64xf32, #tpu.memory_space<hbm>>) dst(%dma_wait3A_287 : memref<128x64xf32, #tpu.memory_space<vmem>>)
    %add3A_294 = arith.constant 5760 : i32
    %add3A_295 = arith.addi %mul3A_2, %add3A_294 : i32
    %dma_start3A_296 = arith.constant 0 : i32
    %dma_start3A_297 = arith.constant 0 : i32
    %dma_start3A_298 = arith.constant 0 : i32
    %dma_start3A_299 = tpu.memref_slice %arg6[%dma_start3A_296, %dma_start3A_297, %dma_start3A_298] : memref<5x128x64xf32, #tpu.memory_space<vmem>> -> memref<1x128x64xf32, #tpu.memory_space<vmem>>
    %dma_start3A_300 = tpu.memref_squeeze %dma_start3A_299 : memref<1x128x64xf32, #tpu.memory_space<vmem>> -> memref<128x64xf32, #tpu.memory_space<vmem>>
    %dma_start3A_301 = arith.constant 0 : i32
    %dma_start3A_302 = tpu.memref_slice %arg4[%add3A_295, %dma_start3A_301] : memref<204800x64xf32, #tpu.memory_space<hbm>> -> memref<128x64xf32, #tpu.memory_space<hbm>>
    %dma_start3A_303 = arith.constant 0 : i32
    %dma_start3A_304 = tpu.memref_slice %arg4[%add3A_295, %dma_start3A_303] : memref<204800x64xf32, #tpu.memory_space<hbm>> -> memref<128x64xf32, #tpu.memory_space<hbm>>
    %dma_start3A_305 = arith.constant 0 : i32
    %dma_start3A_306 = arith.constant 0 : i32
    %dma_start3A_307 = tpu.memref_slice %arg6[%dma_start3A_296, %dma_start3A_305, %dma_start3A_306] : memref<5x128x64xf32, #tpu.memory_space<vmem>> -> memref<1x128x64xf32, #tpu.memory_space<vmem>>
    %dma_start3A_308 = tpu.memref_squeeze %dma_start3A_307 : memref<1x128x64xf32, #tpu.memory_space<vmem>> -> memref<128x64xf32, #tpu.memory_space<vmem>>
    tpu.enqueue_dma source(%dma_start3A_308 : memref<128x64xf32, #tpu.memory_space<vmem>>) target(%dma_start3A_304 : memref<128x64xf32, #tpu.memory_space<hbm>>) target_semaphore(%arg8 : memref<!tpu.dma_semaphore, #tpu.memory_space<semaphore_mem>>)
    %add3A_309 = arith.constant 5504 : i32
    %add3A_310 = arith.addi %mul3A_2, %add3A_309 : i32
    %dma_wait3A_311 = arith.constant 3 : i32
    %dma_wait3A_312 = arith.constant 0 : i32
    %dma_wait3A_313 = arith.constant 0 : i32
    %dma_wait3A_314 = tpu.memref_slice %arg6[%dma_wait3A_311, %dma_wait3A_312, %dma_wait3A_313] : memref<5x128x64xf32, #tpu.memory_space<vmem>> -> memref<1x128x64xf32, #tpu.memory_space<vmem>>
    %dma_wait3A_315 = tpu.memref_squeeze %dma_wait3A_314 : memref<1x128x64xf32, #tpu.memory_space<vmem>> -> memref<128x64xf32, #tpu.memory_space<vmem>>
    %dma_wait3A_316 = arith.constant 0 : i32
    %dma_wait3A_317 = tpu.memref_slice %arg4[%add3A_310, %dma_wait3A_316] : memref<204800x64xf32, #tpu.memory_space<hbm>> -> memref<128x64xf32, #tpu.memory_space<hbm>>
    %dma_wait3A_318 = arith.constant 0 : i32
    %dma_wait3A_319 = tpu.memref_slice %arg4[%add3A_310, %dma_wait3A_318] : memref<204800x64xf32, #tpu.memory_space<hbm>> -> memref<128x64xf32, #tpu.memory_space<hbm>>
    %dma_wait3A_320 = arith.constant 0 : i32
    %dma_wait3A_321 = arith.constant 0 : i32
    %dma_wait3A_322 = tpu.memref_slice %arg6[%dma_wait3A_311, %dma_wait3A_320, %dma_wait3A_321] : memref<5x128x64xf32, #tpu.memory_space<vmem>> -> memref<1x128x64xf32, #tpu.memory_space<vmem>>
    %dma_wait3A_323 = tpu.memref_squeeze %dma_wait3A_322 : memref<1x128x64xf32, #tpu.memory_space<vmem>> -> memref<128x64xf32, #tpu.memory_space<vmem>>
    tpu.wait_dma2 semaphore(%arg8 : memref<!tpu.dma_semaphore, #tpu.memory_space<semaphore_mem>>) src(%dma_wait3A_323 : memref<128x64xf32, #tpu.memory_space<vmem>>) dst(%dma_wait3A_319 : memref<128x64xf32, #tpu.memory_space<hbm>>)
    %dma_start3A_324 = arith.constant 48 : i32
    %dma_start3A_325 = arith.constant 3 : i32
    %dma_start3A_326 = arith.constant 0 : i32
    %dma_start3A_327 = arith.constant 0 : i32
    %dma_start3A_328 = tpu.memref_slice %arg6[%dma_start3A_325, %dma_start3A_326, %dma_start3A_327] : memref<5x128x64xf32, #tpu.memory_space<vmem>> -> memref<1x128x64xf32, #tpu.memory_space<vmem>>
    %dma_start3A_329 = tpu.memref_squeeze %dma_start3A_328 : memref<1x128x64xf32, #tpu.memory_space<vmem>> -> memref<128x64xf32, #tpu.memory_space<vmem>>
    %dma_start3A_330 = arith.constant 0 : i32
    %dma_start3A_331 = tpu.memref_slice %arg5[%dma_start3A_324, %dma_start3A_330] : memref<50x128xi32, #tpu.memory_space<vmem>> -> memref<1x128xi32, #tpu.memory_space<vmem>>
    %dma_start3A_332 = tpu.memref_squeeze %dma_start3A_331 : memref<1x128xi32, #tpu.memory_space<vmem>> -> memref<128xi32, #tpu.memory_space<vmem>>
    %dma_start3A_333 = arith.constant 0 : i32
    %dma_start3A_334 = arith.constant 0 : i32
    %dma_start3A_335 = tpu.memref_slice %arg3[%dma_start3A_333, %dma_start3A_334] : memref<100000x64xf32, #tpu.memory_space<hbm>> -> memref<100000x64xf32, #tpu.memory_space<hbm>>
    tpu.enqueue_indirect_dma source(%dma_start3A_335 : memref<100000x64xf32, #tpu.memory_space<hbm>>) target(%dma_start3A_329 : memref<128x64xf32, #tpu.memory_space<vmem>>) offsets(%dma_start3A_332 : memref<128xi32, #tpu.memory_space<vmem>>) semaphore(%arg7 : memref<!tpu.dma_semaphore, #tpu.memory_space<semaphore_mem>>)
    %dma_wait3A_336 = arith.constant 46 : i32
    %dma_wait3A_337 = arith.constant 1 : i32
    %dma_wait3A_338 = arith.constant 0 : i32
    %dma_wait3A_339 = arith.constant 0 : i32
    %dma_wait3A_340 = tpu.memref_slice %arg6[%dma_wait3A_337, %dma_wait3A_338, %dma_wait3A_339] : memref<5x128x64xf32, #tpu.memory_space<vmem>> -> memref<1x128x64xf32, #tpu.memory_space<vmem>>
    %dma_wait3A_341 = tpu.memref_squeeze %dma_wait3A_340 : memref<1x128x64xf32, #tpu.memory_space<vmem>> -> memref<128x64xf32, #tpu.memory_space<vmem>>
    %dma_wait3A_342 = arith.constant 0 : i32
    %dma_wait3A_343 = tpu.memref_slice %arg5[%dma_wait3A_336, %dma_wait3A_342] : memref<50x128xi32, #tpu.memory_space<vmem>> -> memref<1x128xi32, #tpu.memory_space<vmem>>
    %dma_wait3A_344 = tpu.memref_squeeze %dma_wait3A_343 : memref<1x128xi32, #tpu.memory_space<vmem>> -> memref<128xi32, #tpu.memory_space<vmem>>
    %dma_wait3A_345 = arith.constant 0 : i32
    %dma_wait3A_346 = arith.constant 0 : i32
    %dma_wait3A_347 = tpu.memref_slice %arg3[%dma_wait3A_345, %dma_wait3A_346] : memref<100000x64xf32, #tpu.memory_space<hbm>> -> memref<100000x64xf32, #tpu.memory_space<hbm>>
    tpu.wait_indirect_dma semaphore(%arg7 : memref<!tpu.dma_semaphore, #tpu.memory_space<semaphore_mem>>) src(%dma_wait3A_347 : memref<100000x64xf32, #tpu.memory_space<hbm>>) dst(%dma_wait3A_341 : memref<128x64xf32, #tpu.memory_space<vmem>>)
    %add3A_348 = arith.constant 5888 : i32
    %add3A_349 = arith.addi %mul3A_2, %add3A_348 : i32
    %dma_start3A_350 = arith.constant 1 : i32
    %dma_start3A_351 = arith.constant 0 : i32
    %dma_start3A_352 = arith.constant 0 : i32
    %dma_start3A_353 = tpu.memref_slice %arg6[%dma_start3A_350, %dma_start3A_351, %dma_start3A_352] : memref<5x128x64xf32, #tpu.memory_space<vmem>> -> memref<1x128x64xf32, #tpu.memory_space<vmem>>
    %dma_start3A_354 = tpu.memref_squeeze %dma_start3A_353 : memref<1x128x64xf32, #tpu.memory_space<vmem>> -> memref<128x64xf32, #tpu.memory_space<vmem>>
    %dma_start3A_355 = arith.constant 0 : i32
    %dma_start3A_356 = tpu.memref_slice %arg4[%add3A_349, %dma_start3A_355] : memref<204800x64xf32, #tpu.memory_space<hbm>> -> memref<128x64xf32, #tpu.memory_space<hbm>>
    %dma_start3A_357 = arith.constant 0 : i32
    %dma_start3A_358 = tpu.memref_slice %arg4[%add3A_349, %dma_start3A_357] : memref<204800x64xf32, #tpu.memory_space<hbm>> -> memref<128x64xf32, #tpu.memory_space<hbm>>
    %dma_start3A_359 = arith.constant 0 : i32
    %dma_start3A_360 = arith.constant 0 : i32
    %dma_start3A_361 = tpu.memref_slice %arg6[%dma_start3A_350, %dma_start3A_359, %dma_start3A_360] : memref<5x128x64xf32, #tpu.memory_space<vmem>> -> memref<1x128x64xf32, #tpu.memory_space<vmem>>
    %dma_start3A_362 = tpu.memref_squeeze %dma_start3A_361 : memref<1x128x64xf32, #tpu.memory_space<vmem>> -> memref<128x64xf32, #tpu.memory_space<vmem>>
    tpu.enqueue_dma source(%dma_start3A_362 : memref<128x64xf32, #tpu.memory_space<vmem>>) target(%dma_start3A_358 : memref<128x64xf32, #tpu.memory_space<hbm>>) target_semaphore(%arg8 : memref<!tpu.dma_semaphore, #tpu.memory_space<semaphore_mem>>)
    %add3A_363 = arith.constant 5632 : i32
    %add3A_364 = arith.addi %mul3A_2, %add3A_363 : i32
    %dma_wait3A_365 = arith.constant 4 : i32
    %dma_wait3A_366 = arith.constant 0 : i32
    %dma_wait3A_367 = arith.constant 0 : i32
    %dma_wait3A_368 = tpu.memref_slice %arg6[%dma_wait3A_365, %dma_wait3A_366, %dma_wait3A_367] : memref<5x128x64xf32, #tpu.memory_space<vmem>> -> memref<1x128x64xf32, #tpu.memory_space<vmem>>
    %dma_wait3A_369 = tpu.memref_squeeze %dma_wait3A_368 : memref<1x128x64xf32, #tpu.memory_space<vmem>> -> memref<128x64xf32, #tpu.memory_space<vmem>>
    %dma_wait3A_370 = arith.constant 0 : i32
    %dma_wait3A_371 = tpu.memref_slice %arg4[%add3A_364, %dma_wait3A_370] : memref<204800x64xf32, #tpu.memory_space<hbm>> -> memref<128x64xf32, #tpu.memory_space<hbm>>
    %dma_wait3A_372 = arith.constant 0 : i32
    %dma_wait3A_373 = tpu.memref_slice %arg4[%add3A_364, %dma_wait3A_372] : memref<204800x64xf32, #tpu.memory_space<hbm>> -> memref<128x64xf32, #tpu.memory_space<hbm>>
    %dma_wait3A_374 = arith.constant 0 : i32
    %dma_wait3A_375 = arith.constant 0 : i32
    %dma_wait3A_376 = tpu.memref_slice %arg6[%dma_wait3A_365, %dma_wait3A_374, %dma_wait3A_375] : memref<5x128x64xf32, #tpu.memory_space<vmem>> -> memref<1x128x64xf32, #tpu.memory_space<vmem>>
    %dma_wait3A_377 = tpu.memref_squeeze %dma_wait3A_376 : memref<1x128x64xf32, #tpu.memory_space<vmem>> -> memref<128x64xf32, #tpu.memory_space<vmem>>
    tpu.wait_dma2 semaphore(%arg8 : memref<!tpu.dma_semaphore, #tpu.memory_space<semaphore_mem>>) src(%dma_wait3A_377 : memref<128x64xf32, #tpu.memory_space<vmem>>) dst(%dma_wait3A_373 : memref<128x64xf32, #tpu.memory_space<hbm>>)
    %dma_start3A_378 = arith.constant 49 : i32
    %dma_start3A_379 = arith.constant 4 : i32
    %dma_start3A_380 = arith.constant 0 : i32
    %dma_start3A_381 = arith.constant 0 : i32
    %dma_start3A_382 = tpu.memref_slice %arg6[%dma_start3A_379, %dma_start3A_380, %dma_start3A_381] : memref<5x128x64xf32, #tpu.memory_space<vmem>> -> memref<1x128x64xf32, #tpu.memory_space<vmem>>
    %dma_start3A_383 = tpu.memref_squeeze %dma_start3A_382 : memref<1x128x64xf32, #tpu.memory_space<vmem>> -> memref<128x64xf32, #tpu.memory_space<vmem>>
    %dma_start3A_384 = arith.constant 0 : i32
    %dma_start3A_385 = tpu.memref_slice %arg5[%dma_start3A_378, %dma_start3A_384] : memref<50x128xi32, #tpu.memory_space<vmem>> -> memref<1x128xi32, #tpu.memory_space<vmem>>
    %dma_start3A_386 = tpu.memref_squeeze %dma_start3A_385 : memref<1x128xi32, #tpu.memory_space<vmem>> -> memref<128xi32, #tpu.memory_space<vmem>>
    %dma_start3A_387 = arith.constant 0 : i32
    %dma_start3A_388 = arith.constant 0 : i32
    %dma_start3A_389 = tpu.memref_slice %arg3[%dma_start3A_387, %dma_start3A_388] : memref<100000x64xf32, #tpu.memory_space<hbm>> -> memref<100000x64xf32, #tpu.memory_space<hbm>>
    tpu.enqueue_indirect_dma source(%dma_start3A_389 : memref<100000x64xf32, #tpu.memory_space<hbm>>) target(%dma_start3A_383 : memref<128x64xf32, #tpu.memory_space<vmem>>) offsets(%dma_start3A_386 : memref<128xi32, #tpu.memory_space<vmem>>) semaphore(%arg7 : memref<!tpu.dma_semaphore, #tpu.memory_space<semaphore_mem>>)
    %dma_wait3A_390 = arith.constant 47 : i32
    %dma_wait3A_391 = arith.constant 2 : i32
    %dma_wait3A_392 = arith.constant 0 : i32
    %dma_wait3A_393 = arith.constant 0 : i32
    %dma_wait3A_394 = tpu.memref_slice %arg6[%dma_wait3A_391, %dma_wait3A_392, %dma_wait3A_393] : memref<5x128x64xf32, #tpu.memory_space<vmem>> -> memref<1x128x64xf32, #tpu.memory_space<vmem>>
    %dma_wait3A_395 = tpu.memref_squeeze %dma_wait3A_394 : memref<1x128x64xf32, #tpu.memory_space<vmem>> -> memref<128x64xf32, #tpu.memory_space<vmem>>
    %dma_wait3A_396 = arith.constant 0 : i32
    %dma_wait3A_397 = tpu.memref_slice %arg5[%dma_wait3A_390, %dma_wait3A_396] : memref<50x128xi32, #tpu.memory_space<vmem>> -> memref<1x128xi32, #tpu.memory_space<vmem>>
    %dma_wait3A_398 = tpu.memref_squeeze %dma_wait3A_397 : memref<1x128xi32, #tpu.memory_space<vmem>> -> memref<128xi32, #tpu.memory_space<vmem>>
    %dma_wait3A_399 = arith.constant 0 : i32
    %dma_wait3A_400 = arith.constant 0 : i32
    %dma_wait3A_401 = tpu.memref_slice %arg3[%dma_wait3A_399, %dma_wait3A_400] : memref<100000x64xf32, #tpu.memory_space<hbm>> -> memref<100000x64xf32, #tpu.memory_space<hbm>>
    tpu.wait_indirect_dma semaphore(%arg7 : memref<!tpu.dma_semaphore, #tpu.memory_space<semaphore_mem>>) src(%dma_wait3A_401 : memref<100000x64xf32, #tpu.memory_space<hbm>>) dst(%dma_wait3A_395 : memref<128x64xf32, #tpu.memory_space<vmem>>)
    %add3A_402 = arith.constant 6016 : i32
    %add3A_403 = arith.addi %mul3A_2, %add3A_402 : i32
    %dma_start3A_404 = arith.constant 2 : i32
    %dma_start3A_405 = arith.constant 0 : i32
    %dma_start3A_406 = arith.constant 0 : i32
    %dma_start3A_407 = tpu.memref_slice %arg6[%dma_start3A_404, %dma_start3A_405, %dma_start3A_406] : memref<5x128x64xf32, #tpu.memory_space<vmem>> -> memref<1x128x64xf32, #tpu.memory_space<vmem>>
    %dma_start3A_408 = tpu.memref_squeeze %dma_start3A_407 : memref<1x128x64xf32, #tpu.memory_space<vmem>> -> memref<128x64xf32, #tpu.memory_space<vmem>>
    %dma_start3A_409 = arith.constant 0 : i32
    %dma_start3A_410 = tpu.memref_slice %arg4[%add3A_403, %dma_start3A_409] : memref<204800x64xf32, #tpu.memory_space<hbm>> -> memref<128x64xf32, #tpu.memory_space<hbm>>
    %dma_start3A_411 = arith.constant 0 : i32
    %dma_start3A_412 = tpu.memref_slice %arg4[%add3A_403, %dma_start3A_411] : memref<204800x64xf32, #tpu.memory_space<hbm>> -> memref<128x64xf32, #tpu.memory_space<hbm>>
    %dma_start3A_413 = arith.constant 0 : i32
    %dma_start3A_414 = arith.constant 0 : i32
    %dma_start3A_415 = tpu.memref_slice %arg6[%dma_start3A_404, %dma_start3A_413, %dma_start3A_414] : memref<5x128x64xf32, #tpu.memory_space<vmem>> -> memref<1x128x64xf32, #tpu.memory_space<vmem>>
    %dma_start3A_416 = tpu.memref_squeeze %dma_start3A_415 : memref<1x128x64xf32, #tpu.memory_space<vmem>> -> memref<128x64xf32, #tpu.memory_space<vmem>>
    tpu.enqueue_dma source(%dma_start3A_416 : memref<128x64xf32, #tpu.memory_space<vmem>>) target(%dma_start3A_412 : memref<128x64xf32, #tpu.memory_space<hbm>>) target_semaphore(%arg8 : memref<!tpu.dma_semaphore, #tpu.memory_space<semaphore_mem>>)
    %dma_wait3A_417 = arith.constant 48 : i32
    %dma_wait3A_418 = arith.constant 3 : i32
    %dma_wait3A_419 = arith.constant 0 : i32
    %dma_wait3A_420 = arith.constant 0 : i32
    %dma_wait3A_421 = tpu.memref_slice %arg6[%dma_wait3A_418, %dma_wait3A_419, %dma_wait3A_420] : memref<5x128x64xf32, #tpu.memory_space<vmem>> -> memref<1x128x64xf32, #tpu.memory_space<vmem>>
    %dma_wait3A_422 = tpu.memref_squeeze %dma_wait3A_421 : memref<1x128x64xf32, #tpu.memory_space<vmem>> -> memref<128x64xf32, #tpu.memory_space<vmem>>
    %dma_wait3A_423 = arith.constant 0 : i32
    %dma_wait3A_424 = tpu.memref_slice %arg5[%dma_wait3A_417, %dma_wait3A_423] : memref<50x128xi32, #tpu.memory_space<vmem>> -> memref<1x128xi32, #tpu.memory_space<vmem>>
    %dma_wait3A_425 = tpu.memref_squeeze %dma_wait3A_424 : memref<1x128xi32, #tpu.memory_space<vmem>> -> memref<128xi32, #tpu.memory_space<vmem>>
    %dma_wait3A_426 = arith.constant 0 : i32
    %dma_wait3A_427 = arith.constant 0 : i32
    %dma_wait3A_428 = tpu.memref_slice %arg3[%dma_wait3A_426, %dma_wait3A_427] : memref<100000x64xf32, #tpu.memory_space<hbm>> -> memref<100000x64xf32, #tpu.memory_space<hbm>>
    tpu.wait_indirect_dma semaphore(%arg7 : memref<!tpu.dma_semaphore, #tpu.memory_space<semaphore_mem>>) src(%dma_wait3A_428 : memref<100000x64xf32, #tpu.memory_space<hbm>>) dst(%dma_wait3A_422 : memref<128x64xf32, #tpu.memory_space<vmem>>)
    %add3A_429 = arith.constant 6144 : i32
    %add3A_430 = arith.addi %mul3A_2, %add3A_429 : i32
    %dma_start3A_431 = arith.constant 3 : i32
    %dma_start3A_432 = arith.constant 0 : i32
    %dma_start3A_433 = arith.constant 0 : i32
    %dma_start3A_434 = tpu.memref_slice %arg6[%dma_start3A_431, %dma_start3A_432, %dma_start3A_433] : memref<5x128x64xf32, #tpu.memory_space<vmem>> -> memref<1x128x64xf32, #tpu.memory_space<vmem>>
    %dma_start3A_435 = tpu.memref_squeeze %dma_start3A_434 : memref<1x128x64xf32, #tpu.memory_space<vmem>> -> memref<128x64xf32, #tpu.memory_space<vmem>>
    %dma_start3A_436 = arith.constant 0 : i32
    %dma_start3A_437 = tpu.memref_slice %arg4[%add3A_430, %dma_start3A_436] : memref<204800x64xf32, #tpu.memory_space<hbm>> -> memref<128x64xf32, #tpu.memory_space<hbm>>
    %dma_start3A_438 = arith.constant 0 : i32
    %dma_start3A_439 = tpu.memref_slice %arg4[%add3A_430, %dma_start3A_438] : memref<204800x64xf32, #tpu.memory_space<hbm>> -> memref<128x64xf32, #tpu.memory_space<hbm>>
    %dma_start3A_440 = arith.constant 0 : i32
    %dma_start3A_441 = arith.constant 0 : i32
    %dma_start3A_442 = tpu.memref_slice %arg6[%dma_start3A_431, %dma_start3A_440, %dma_start3A_441] : memref<5x128x64xf32, #tpu.memory_space<vmem>> -> memref<1x128x64xf32, #tpu.memory_space<vmem>>
    %dma_start3A_443 = tpu.memref_squeeze %dma_start3A_442 : memref<1x128x64xf32, #tpu.memory_space<vmem>> -> memref<128x64xf32, #tpu.memory_space<vmem>>
    tpu.enqueue_dma source(%dma_start3A_443 : memref<128x64xf32, #tpu.memory_space<vmem>>) target(%dma_start3A_439 : memref<128x64xf32, #tpu.memory_space<hbm>>) target_semaphore(%arg8 : memref<!tpu.dma_semaphore, #tpu.memory_space<semaphore_mem>>)
    %dma_wait3A_444 = arith.constant 49 : i32
    %dma_wait3A_445 = arith.constant 4 : i32
    %dma_wait3A_446 = arith.constant 0 : i32
    %dma_wait3A_447 = arith.constant 0 : i32
    %dma_wait3A_448 = tpu.memref_slice %arg6[%dma_wait3A_445, %dma_wait3A_446, %dma_wait3A_447] : memref<5x128x64xf32, #tpu.memory_space<vmem>> -> memref<1x128x64xf32, #tpu.memory_space<vmem>>
    %dma_wait3A_449 = tpu.memref_squeeze %dma_wait3A_448 : memref<1x128x64xf32, #tpu.memory_space<vmem>> -> memref<128x64xf32, #tpu.memory_space<vmem>>
    %dma_wait3A_450 = arith.constant 0 : i32
    %dma_wait3A_451 = tpu.memref_slice %arg5[%dma_wait3A_444, %dma_wait3A_450] : memref<50x128xi32, #tpu.memory_space<vmem>> -> memref<1x128xi32, #tpu.memory_space<vmem>>
    %dma_wait3A_452 = tpu.memref_squeeze %dma_wait3A_451 : memref<1x128xi32, #tpu.memory_space<vmem>> -> memref<128xi32, #tpu.memory_space<vmem>>
    %dma_wait3A_453 = arith.constant 0 : i32
    %dma_wait3A_454 = arith.constant 0 : i32
    %dma_wait3A_455 = tpu.memref_slice %arg3[%dma_wait3A_453, %dma_wait3A_454] : memref<100000x64xf32, #tpu.memory_space<hbm>> -> memref<100000x64xf32, #tpu.memory_space<hbm>>
    tpu.wait_indirect_dma semaphore(%arg7 : memref<!tpu.dma_semaphore, #tpu.memory_space<semaphore_mem>>) src(%dma_wait3A_455 : memref<100000x64xf32, #tpu.memory_space<hbm>>) dst(%dma_wait3A_449 : memref<128x64xf32, #tpu.memory_space<vmem>>)
    %add3A_456 = arith.constant 6272 : i32
    %add3A_457 = arith.addi %mul3A_2, %add3A_456 : i32
    %dma_start3A_458 = arith.constant 4 : i32
    %dma_start3A_459 = arith.constant 0 : i32
    %dma_start3A_460 = arith.constant 0 : i32
    %dma_start3A_461 = tpu.memref_slice %arg6[%dma_start3A_458, %dma_start3A_459, %dma_start3A_460] : memref<5x128x64xf32, #tpu.memory_space<vmem>> -> memref<1x128x64xf32, #tpu.memory_space<vmem>>
    %dma_start3A_462 = tpu.memref_squeeze %dma_start3A_461 : memref<1x128x64xf32, #tpu.memory_space<vmem>> -> memref<128x64xf32, #tpu.memory_space<vmem>>
    %dma_start3A_463 = arith.constant 0 : i32
    %dma_start3A_464 = tpu.memref_slice %arg4[%add3A_457, %dma_start3A_463] : memref<204800x64xf32, #tpu.memory_space<hbm>> -> memref<128x64xf32, #tpu.memory_space<hbm>>
    %dma_start3A_465 = arith.constant 0 : i32
    %dma_start3A_466 = tpu.memref_slice %arg4[%add3A_457, %dma_start3A_465] : memref<204800x64xf32, #tpu.memory_space<hbm>> -> memref<128x64xf32, #tpu.memory_space<hbm>>
    %dma_start3A_467 = arith.constant 0 : i32
    %dma_start3A_468 = arith.constant 0 : i32
    %dma_start3A_469 = tpu.memref_slice %arg6[%dma_start3A_458, %dma_start3A_467, %dma_start3A_468] : memref<5x128x64xf32, #tpu.memory_space<vmem>> -> memref<1x128x64xf32, #tpu.memory_space<vmem>>
    %dma_start3A_470 = tpu.memref_squeeze %dma_start3A_469 : memref<1x128x64xf32, #tpu.memory_space<vmem>> -> memref<128x64xf32, #tpu.memory_space<vmem>>
    tpu.enqueue_dma source(%dma_start3A_470 : memref<128x64xf32, #tpu.memory_space<vmem>>) target(%dma_start3A_466 : memref<128x64xf32, #tpu.memory_space<hbm>>) target_semaphore(%arg8 : memref<!tpu.dma_semaphore, #tpu.memory_space<semaphore_mem>>)
    %add3A_471 = arith.constant 5760 : i32
    %add3A_472 = arith.addi %mul3A_2, %add3A_471 : i32
    %dma_wait3A_473 = arith.constant 0 : i32
    %dma_wait3A_474 = arith.constant 0 : i32
    %dma_wait3A_475 = arith.constant 0 : i32
    %dma_wait3A_476 = tpu.memref_slice %arg6[%dma_wait3A_473, %dma_wait3A_474, %dma_wait3A_475] : memref<5x128x64xf32, #tpu.memory_space<vmem>> -> memref<1x128x64xf32, #tpu.memory_space<vmem>>
    %dma_wait3A_477 = tpu.memref_squeeze %dma_wait3A_476 : memref<1x128x64xf32, #tpu.memory_space<vmem>> -> memref<128x64xf32, #tpu.memory_space<vmem>>
    %dma_wait3A_478 = arith.constant 0 : i32
    %dma_wait3A_479 = tpu.memref_slice %arg4[%add3A_472, %dma_wait3A_478] : memref<204800x64xf32, #tpu.memory_space<hbm>> -> memref<128x64xf32, #tpu.memory_space<hbm>>
    %dma_wait3A_480 = arith.constant 0 : i32
    %dma_wait3A_481 = tpu.memref_slice %arg4[%add3A_472, %dma_wait3A_480] : memref<204800x64xf32, #tpu.memory_space<hbm>> -> memref<128x64xf32, #tpu.memory_space<hbm>>
    %dma_wait3A_482 = arith.constant 0 : i32
    %dma_wait3A_483 = arith.constant 0 : i32
    %dma_wait3A_484 = tpu.memref_slice %arg6[%dma_wait3A_473, %dma_wait3A_482, %dma_wait3A_483] : memref<5x128x64xf32, #tpu.memory_space<vmem>> -> memref<1x128x64xf32, #tpu.memory_space<vmem>>
    %dma_wait3A_485 = tpu.memref_squeeze %dma_wait3A_484 : memref<1x128x64xf32, #tpu.memory_space<vmem>> -> memref<128x64xf32, #tpu.memory_space<vmem>>
    tpu.wait_dma2 semaphore(%arg8 : memref<!tpu.dma_semaphore, #tpu.memory_space<semaphore_mem>>) src(%dma_wait3A_485 : memref<128x64xf32, #tpu.memory_space<vmem>>) dst(%dma_wait3A_481 : memref<128x64xf32, #tpu.memory_space<hbm>>)
    %add3A_486 = arith.constant 5888 : i32
    %add3A_487 = arith.addi %mul3A_2, %add3A_486 : i32
    %dma_wait3A_488 = arith.constant 1 : i32
    %dma_wait3A_489 = arith.constant 0 : i32
    %dma_wait3A_490 = arith.constant 0 : i32
    %dma_wait3A_491 = tpu.memref_slice %arg6[%dma_wait3A_488, %dma_wait3A_489, %dma_wait3A_490] : memref<5x128x64xf32, #tpu.memory_space<vmem>> -> memref<1x128x64xf32, #tpu.memory_space<vmem>>
    %dma_wait3A_492 = tpu.memref_squeeze %dma_wait3A_491 : memref<1x128x64xf32, #tpu.memory_space<vmem>> -> memref<128x64xf32, #tpu.memory_space<vmem>>
    %dma_wait3A_493 = arith.constant 0 : i32
    %dma_wait3A_494 = tpu.memref_slice %arg4[%add3A_487, %dma_wait3A_493] : memref<204800x64xf32, #tpu.memory_space<hbm>> -> memref<128x64xf32, #tpu.memory_space<hbm>>
    %dma_wait3A_495 = arith.constant 0 : i32
    %dma_wait3A_496 = tpu.memref_slice %arg4[%add3A_487, %dma_wait3A_495] : memref<204800x64xf32, #tpu.memory_space<hbm>> -> memref<128x64xf32, #tpu.memory_space<hbm>>
    %dma_wait3A_497 = arith.constant 0 : i32
    %dma_wait3A_498 = arith.constant 0 : i32
    %dma_wait3A_499 = tpu.memref_slice %arg6[%dma_wait3A_488, %dma_wait3A_497, %dma_wait3A_498] : memref<5x128x64xf32, #tpu.memory_space<vmem>> -> memref<1x128x64xf32, #tpu.memory_space<vmem>>
    %dma_wait3A_500 = tpu.memref_squeeze %dma_wait3A_499 : memref<1x128x64xf32, #tpu.memory_space<vmem>> -> memref<128x64xf32, #tpu.memory_space<vmem>>
    tpu.wait_dma2 semaphore(%arg8 : memref<!tpu.dma_semaphore, #tpu.memory_space<semaphore_mem>>) src(%dma_wait3A_500 : memref<128x64xf32, #tpu.memory_space<vmem>>) dst(%dma_wait3A_496 : memref<128x64xf32, #tpu.memory_space<hbm>>)
    %add3A_501 = arith.constant 6016 : i32
    %add3A_502 = arith.addi %mul3A_2, %add3A_501 : i32
    %dma_wait3A_503 = arith.constant 2 : i32
    %dma_wait3A_504 = arith.constant 0 : i32
    %dma_wait3A_505 = arith.constant 0 : i32
    %dma_wait3A_506 = tpu.memref_slice %arg6[%dma_wait3A_503, %dma_wait3A_504, %dma_wait3A_505] : memref<5x128x64xf32, #tpu.memory_space<vmem>> -> memref<1x128x64xf32, #tpu.memory_space<vmem>>
    %dma_wait3A_507 = tpu.memref_squeeze %dma_wait3A_506 : memref<1x128x64xf32, #tpu.memory_space<vmem>> -> memref<128x64xf32, #tpu.memory_space<vmem>>
    %dma_wait3A_508 = arith.constant 0 : i32
    %dma_wait3A_509 = tpu.memref_slice %arg4[%add3A_502, %dma_wait3A_508] : memref<204800x64xf32, #tpu.memory_space<hbm>> -> memref<128x64xf32, #tpu.memory_space<hbm>>
    %dma_wait3A_510 = arith.constant 0 : i32
    %dma_wait3A_511 = tpu.memref_slice %arg4[%add3A_502, %dma_wait3A_510] : memref<204800x64xf32, #tpu.memory_space<hbm>> -> memref<128x64xf32, #tpu.memory_space<hbm>>
    %dma_wait3A_512 = arith.constant 0 : i32
    %dma_wait3A_513 = arith.constant 0 : i32
    %dma_wait3A_514 = tpu.memref_slice %arg6[%dma_wait3A_503, %dma_wait3A_512, %dma_wait3A_513] : memref<5x128x64xf32, #tpu.memory_space<vmem>> -> memref<1x128x64xf32, #tpu.memory_space<vmem>>
    %dma_wait3A_515 = tpu.memref_squeeze %dma_wait3A_514 : memref<1x128x64xf32, #tpu.memory_space<vmem>> -> memref<128x64xf32, #tpu.memory_space<vmem>>
    tpu.wait_dma2 semaphore(%arg8 : memref<!tpu.dma_semaphore, #tpu.memory_space<semaphore_mem>>) src(%dma_wait3A_515 : memref<128x64xf32, #tpu.memory_space<vmem>>) dst(%dma_wait3A_511 : memref<128x64xf32, #tpu.memory_space<hbm>>)
    %add3A_516 = arith.constant 6144 : i32
    %add3A_517 = arith.addi %mul3A_2, %add3A_516 : i32
    %dma_wait3A_518 = arith.constant 3 : i32
    %dma_wait3A_519 = arith.constant 0 : i32
    %dma_wait3A_520 = arith.constant 0 : i32
    %dma_wait3A_521 = tpu.memref_slice %arg6[%dma_wait3A_518, %dma_wait3A_519, %dma_wait3A_520] : memref<5x128x64xf32, #tpu.memory_space<vmem>> -> memref<1x128x64xf32, #tpu.memory_space<vmem>>
    %dma_wait3A_522 = tpu.memref_squeeze %dma_wait3A_521 : memref<1x128x64xf32, #tpu.memory_space<vmem>> -> memref<128x64xf32, #tpu.memory_space<vmem>>
    %dma_wait3A_523 = arith.constant 0 : i32
    %dma_wait3A_524 = tpu.memref_slice %arg4[%add3A_517, %dma_wait3A_523] : memref<204800x64xf32, #tpu.memory_space<hbm>> -> memref<128x64xf32, #tpu.memory_space<hbm>>
    %dma_wait3A_525 = arith.constant 0 : i32
    %dma_wait3A_526 = tpu.memref_slice %arg4[%add3A_517, %dma_wait3A_525] : memref<204800x64xf32, #tpu.memory_space<hbm>> -> memref<128x64xf32, #tpu.memory_space<hbm>>
    %dma_wait3A_527 = arith.constant 0 : i32
    %dma_wait3A_528 = arith.constant 0 : i32
    %dma_wait3A_529 = tpu.memref_slice %arg6[%dma_wait3A_518, %dma_wait3A_527, %dma_wait3A_528] : memref<5x128x64xf32, #tpu.memory_space<vmem>> -> memref<1x128x64xf32, #tpu.memory_space<vmem>>
    %dma_wait3A_530 = tpu.memref_squeeze %dma_wait3A_529 : memref<1x128x64xf32, #tpu.memory_space<vmem>> -> memref<128x64xf32, #tpu.memory_space<vmem>>
    tpu.wait_dma2 semaphore(%arg8 : memref<!tpu.dma_semaphore, #tpu.memory_space<semaphore_mem>>) src(%dma_wait3A_530 : memref<128x64xf32, #tpu.memory_space<vmem>>) dst(%dma_wait3A_526 : memref<128x64xf32, #tpu.memory_space<hbm>>)
    %add3A_531 = arith.constant 6272 : i32
    %add3A_532 = arith.addi %mul3A_2, %add3A_531 : i32
    %dma_wait3A_533 = arith.constant 4 : i32
    %dma_wait3A_534 = arith.constant 0 : i32
    %dma_wait3A_535 = arith.constant 0 : i32
    %dma_wait3A_536 = tpu.memref_slice %arg6[%dma_wait3A_533, %dma_wait3A_534, %dma_wait3A_535] : memref<5x128x64xf32, #tpu.memory_space<vmem>> -> memref<1x128x64xf32, #tpu.memory_space<vmem>>
    %dma_wait3A_537 = tpu.memref_squeeze %dma_wait3A_536 : memref<1x128x64xf32, #tpu.memory_space<vmem>> -> memref<128x64xf32, #tpu.memory_space<vmem>>
    %dma_wait3A_538 = arith.constant 0 : i32
    %dma_wait3A_539 = tpu.memref_slice %arg4[%add3A_532, %dma_wait3A_538] : memref<204800x64xf32, #tpu.memory_space<hbm>> -> memref<128x64xf32, #tpu.memory_space<hbm>>
    %dma_wait3A_540 = arith.constant 0 : i32
    %dma_wait3A_541 = tpu.memref_slice %arg4[%add3A_532, %dma_wait3A_540] : memref<204800x64xf32, #tpu.memory_space<hbm>> -> memref<128x64xf32, #tpu.memory_space<hbm>>
    %dma_wait3A_542 = arith.constant 0 : i32
    %dma_wait3A_543 = arith.constant 0 : i32
    %dma_wait3A_544 = tpu.memref_slice %arg6[%dma_wait3A_533, %dma_wait3A_542, %dma_wait3A_543] : memref<5x128x64xf32, #tpu.memory_space<vmem>> -> memref<1x128x64xf32, #tpu.memory_space<vmem>>
    %dma_wait3A_545 = tpu.memref_squeeze %dma_wait3A_544 : memref<1x128x64xf32, #tpu.memory_space<vmem>> -> memref<128x64xf32, #tpu.memory_space<vmem>>
    tpu.wait_dma2 semaphore(%arg8 : memref<!tpu.dma_semaphore, #tpu.memory_space<semaphore_mem>>) src(%dma_wait3A_545 : memref<128x64xf32, #tpu.memory_space<vmem>>) dst(%dma_wait3A_541 : memref<128x64xf32, #tpu.memory_space<hbm>>)
    return
  }
}

</mosaic_0001>

<sc_bundles>
// kernel: _gather_rows.3.cloned.1.call-start
scs
__scs_entry_jumppad:
0x0: {  	(pc) =	sbr.rel $0x88, $3  }
0x1: {  	(tag) =	ssettag $0x0;
	lr =	simm.s32 $0x1  }
0x2: {  	[smem:$0x3F9F] =	sst lr;
	_ =	strace $0xD0000000  }
0x3: {  	_ = 	snop  }
0x4: {  	_ = 	snop  }
0x5: {  	_ = 	snop  }
0x6: {  	_ = 	snop  }
0x7: {  	_ = 	snop  }
__scs_overlays_trampoline_lowered:
0x8: {  	[smem:$0x3FAE] =	sst s0  }
0x9: {  	[smem:$0x3FAF] =	sst s1  }
0xa: {  	[smem:$0x3FB0] =	sst s2  }
0xb: {  	[smem:$0x3FB1] =	sst s3  }
0xc: {  	[smem:$0x3FB2] =	sst s4  }
0xd: {  	[smem:$0x3FB3] =	sst s5  }
0xe: {  	[smem:$0x3FB4] =	sst s6  }
0xf: {  	[smem:$0x3FB5] =	sst s7  }
0x10: {  	[smem:$0x3FB6] =	sst s8  }
0x11: {  	[smem:$0x3FB7] =	sst s9;
	s0 =	simm.s32 @!p0 $0x0  }
0x12: {  	s1 =	sld [smem:$0x3F9D];
	s0 =	simm.s32 @p0 $0x1  }
0x13: {  	[smem:$0x3FB8] =	sst s0;
	s0 =	simm.s32 @!p1 $0x0  }
0x14: {  	s2 =	sld [smem:$0x3F9C];
	s0 =	simm.s32 @p1 $0x1  }
0x15: {  	[smem:$0x3FB9] =	sst s0;
	s0 =	simm.s32 @!p2 $0x0  }
0x16: {  	s3 =	sld [smem:$0x3FDB];
	s0 =	simm.s32 @p2 $0x1  }
0x17: {  	s4 =	simm.s32 $0x1BF5;
	[smem:$0x3FBB] =	sst s0  }
0x18: {  	s0 =	sld [smem:$0x3F9E];
	_ =	swait.ge [sflag:s4], $0x0  }
0x19: {  	s7 =	sld [smem:$0x3F9F]  }
0x1a: {  	s8 =	sadd.s32 $0xFFFFE003, lr  }
0x1b: {  	s9 =	sadd.s32 $0xFFFFFEF7, lr;
	s5 =	simm.s32 $0xFFFFFFFF;
	p2 =	slt.u32 s8, $0xFFFFF086  }
0x1c: {  	p1 =	slt.u32 s9, $0xF7A;
	s5 =	simm.s32 @!p2 $0x0  }
0x1d: {  	s5 =	simm.s32 @p1 $0x1;
	p0 =	seq.s32 s7, s2  }
0x1e: {  	s7 =	smul.u32 @!p0 $0xF7A, s2;
	p2 =	seq.s32 @!p0 s5, $0x0  }
0x1f: {  	s9 =	smul.u32 $0xF7A, s1;
	s8 =	simm.s32 @!p0 $0x1BF5;
	p2 =	por !p2, p0  }
0x20: {  	[sflag:s8] =	ssyncset.s32 @!p0 $0xFFFFF086;
	s6 =	sadd.s32 @!p0 s3, s7;
	s7 =	simm.s32 @!p0 $0x108  }
0x21: {  	s3 =	sadd.s32 s3, s9;
	s6 =	sadd.s32 @!p0 $0x88, s6;
	s7 =	simm.s32 @p2 $0x1082  }
0x22: {  	[simem:s7], [sflag:s8] =	dma.local @!p0 [hbm:s6], $0xF7A  }
0x23: {  	s9 =	sor.u32 $0xD0000000, s2;
	s6 =	simm.s32 $0x108;
	_ =	swait.ge @!p0 [sflag:s8], $0x0  }
0x24: {  	s3 =	sadd.s32 $0x88, s3;
	s6 =	simm.s32 @!p1 $0x1082;
	[sflag:s4] =	ssyncset.s32 $0xFFFFF086  }
0x25: {  	[simem:s6], [sflag:s4] =	dma.local [hbm:s3], $0xF7A  }
0x26: {  	[smem:$0x3F9F] =	sst s1;
	(tag) =	ssettag s2;
	_ =	strace s9  }
0x27: {  	s1 =	sld [smem:$0x3FAF]  }
0x28: {  	s2 =	sld [smem:$0x3FB0]  }
0x29: {  	s4 =	sld [smem:$0x3FB2]  }
0x2a: {  	p0 =	seq.s32 s5, $0x0;
	s5 =	sld [smem:$0x3FB3]  }
0x2b: {  	s6 =	sld [smem:$0x3FB4]  }
0x2c: {  	s7 =	sld [smem:$0x3FB5]  }
0x2d: {  	s3 =	simm.s32 $0x108;
	s8 =	sld [smem:$0x3FB6]  }
0x2e: {  	s3 =	simm.s32 @!p0 $0x1082;
	s9 =	sld [smem:$0x3FB7]  }
0x2f: {  	lr =	sadd.s32 s0, s3;
	s0 =	sld [smem:$0x3FAE]  }
0x30: {  	s3 =	sld [smem:$0x3FB1]  }
0x31: {  	[smem:$0x3FBA] =	sst s10  }
0x32: {  	s10 =	sld [smem:$0x3FB8];
	_ =	sdelay $0x3  }
0x33: {  	p0 =	seq.s32 s10, $0x1;
	s10 =	sld [smem:$0x3FBA];
	_ =	sdelay $0x3  }
0x34: {  	[smem:$0x3FBA] =	sst s10  }
0x35: {  	s10 =	sld [smem:$0x3FB9];
	_ =	sdelay $0x3  }
0x36: {  	p1 =	seq.s32 s10, $0x1;
	s10 =	sld [smem:$0x3FBA];
	_ =	sdelay $0x3  }
0x37: {  	[smem:$0x3FBA] =	sst s10  }
0x38: {  	s10 =	sld [smem:$0x3FBB]  }
0x39: {  	_ = 	snop;
	(pc) =	sbr.ind lr, $3  }
0x3a: {  	_ = 	snop  }
0x3b: {  	_ = 	snop  }
0x3c: {  	p2 =	seq.s32 s10, $0x1;
	s10 =	sld [smem:$0x3FBA]  }
0x3d: {  	_ =	shalt  }
0x3e: {  	_ =	shalt  }
0x3f: {  	_ =	shalt  }
0x40: {  	_ =	shalt  }
0x41: {  	_ =	shalt  }
0x42: {  	_ =	shalt  }
0x43: {  	_ =	shalt  }
0x44: {  	_ =	shalt  }
0x45: {  	_ =	shalt  }
0x46: {  	_ =	shalt  }
0x47: {  	_ =	shalt  }
0x48: {  	_ =	shalt  }
0x49: {  	_ =	shalt  }
0x4a: {  	_ =	shalt  }
0x4b: {  	_ =	shalt  }
0x4c: {  	_ =	shalt  }
0x4d: {  	_ =	shalt  }
0x4e: {  	_ =	shalt  }
0x4f: {  	_ =	shalt  }
0x50: {  	_ =	shalt  }
0x51: {  	_ =	shalt  }
0x52: {  	_ =	shalt  }
0x53: {  	_ =	shalt  }
0x54: {  	_ =	shalt  }
0x55: {  	_ =	shalt  }
0x56: {  	_ =	shalt  }
0x57: {  	_ =	shalt  }
0x58: {  	_ =	shalt  }
0x59: {  	_ =	shalt  }
0x5a: {  	_ =	shalt  }
0x5b: {  	_ =	shalt  }
0x5c: {  	_ =	shalt  }
0x5d: {  	_ =	shalt  }
0x5e: {  	_ =	shalt  }
0x5f: {  	_ =	shalt  }
0x60: {  	_ =	shalt  }
0x61: {  	_ =	shalt  }
0x62: {  	_ =	shalt  }
0x63: {  	_ =	shalt  }
0x64: {  	_ =	shalt  }
0x65: {  	_ =	shalt  }
0x66: {  	_ =	shalt  }
0x67: {  	_ =	shalt  }
0x68: {  	_ =	shalt  }
0x69: {  	_ =	shalt  }
0x6a: {  	_ =	shalt  }
0x6b: {  	_ =	shalt  }
0x6c: {  	_ =	shalt  }
0x6d: {  	_ =	shalt  }
0x6e: {  	_ =	shalt  }
0x6f: {  	_ =	shalt  }
0x70: {  	_ =	shalt  }
0x71: {  	_ =	shalt  }
0x72: {  	_ =	shalt  }
0x73: {  	_ =	shalt  }
0x74: {  	_ =	shalt  }
0x75: {  	_ =	shalt  }
0x76: {  	_ =	shalt  }
0x77: {  	_ =	shalt  }
0x78: {  	_ =	shalt  }
0x79: {  	_ =	shalt  }
0x7a: {  	_ =	shalt  }
0x7b: {  	_ =	shalt  }
0x7c: {  	_ =	shalt  }
0x7d: {  	_ =	shalt  }
0x7e: {  	_ =	shalt  }
0x7f: {  	_ =	shalt  }
0x80: {  	_ =	shalt  }
0x81: {  	_ =	shalt  }
0x82: {  	_ =	shalt  }
0x83: {  	_ =	shalt  }
0x84: {  	_ =	shalt  }
0x85: {  	_ =	shalt  }
0x86: {  	_ =	shalt  }
0x87: {  	_ =	shalt  }
.Lfunc_end0:
.L_simem_size_0:
called_computation.1_lowered:
.L_overlay_start_0:
0x88: {  	s2 =	sld [smem:$0x3FD9]  }
0x89: {  	s3 =	sld [smem:$0x3FFE];
	_ =	sdelay $0x1  }
0x8a: {  	s1 =	srdreg.scid  }
0x8b: {  	s0 =	sand.u32 $0x1, s1  }
0x8c: {  	s17 =	sshll.u32 s0, $0xA;
	s2 =	sadd.s32 s3, s2  }
0x8d: {  	s2 =	sadd.s32 s2, s17  }
0x8e: {  	[smem:$0x3FC6] =	sst s2  }
0x8f: {  	_ = 	snop  }
0x90: {  	s2 =	sld [smem:$0x3FD0];
	(tm) =	ssettm $0x1  }
0x91: {  	s18 =	sld [smem:$0x3FFB];
	_ =	sdelay $0x3  }
0x92: {  	_ =	strace s18  }
0x93: {  	s3 =	sld [smem:$0x3FFC];
	_ =	sdelay $0x3  }
0x94: {  	_ =	strace s3  }
0x95: {  	s3 =	sld [smem:$0x3FFD];
	_ =	sdelay $0x3  }
0x96: {  	_ =	strace s3  }
0x97: {  	_ =	strace $0x8FFFFFFF  }
0x98: {  	s19 =	sld [smem:$0x3FDB];
	_ =	sdelay $0x1  }
0x99: {  	s4 =	simm.s32 $_scs_section_size  }
0x9a: {  	s5 =	simm.s32 $_size__tile_overlayer_lowered;
	s6 =	simm.s32 $_tile_overlayer_lowered  }
0x9b: {  	s22 =	simm.s32 $0x1BFF;
	s21 =	sshll.u32 s6, $0x1;
	s3 =	sadd.s32 s4, s19  }
0x9c: {  	s7 =	simm.s32 $0x0;
	s20 =	sshll.u32 s5, $0x1;
	s5 =	sadd.s32 s21, s3  }
0x9d: {  	[timem:s7], [sflag:s22] =	dma.local [hbm:s5], s20  }
0x9e: {  	_ =	swait.ge [sflag:s22], s20  }
0x9f: {  	s4 =	ssub.s32 $0x0, s20;
	[sflag:s22] =	ssyncset.done $0x0  }
0xa0: {  	[sflag:s22] =	ssyncadd.s32 s4;
	_ =	sdelay $0x1  }
0xa1: {  	s23 =	simm.s32 $0x1B8B  }
0xa2: {  	_ =	swait.ge [sflag:s23], $0x1  }
0xa3: {  	[sflag:s23] =	ssyncset.done $0x0  }
0xa4: {  	s25 =	simm.s32 $0x1B8E;
	s24 =	sld [smem:$0x3FFE];
	[sflag:s23] =	ssyncadd.s32 $0xFFFFFFFF  }
0xa5: {  	s26 =	simm.s32 $execute0_lowered;
	[smem:$0x3FD2] =	sst s25  }
0xa6: {  	s5 =	sshll.u32 s26, $0x1;
	_ =	strace $0x80000046;
	[dreg:$0x1] =	wrdreg $0xFFFFFFFF  }
0xa7: {  	s28 =	simm.s32 $_size_execute0_lowered;
	s3 =	sadd.s32 s3, s5;
	[dreg:$0x0] =	wrdreg $0x0  }
0xa8: {  	s5 =	sshll.u32 s28, $0x1;
	[dreg:$0x2] =	wrdreg s3  }
0xa9: {  	[dreg:$0x3] =	wrdreg s5  }
0xaa: {  	[dreg:$0x4] =	wrdreg $0xC0  }
0xab: {  	_ =	task [dreg:s7], $0x5FFFF  }
0xac: {  	[dreg:$0x1] =	wrdreg $0xFFFFFFFF  }
0xad: {  	[dreg:$0x0] =	wrdreg $0x60  }
0xae: {  	[dreg:$0x2] =	wrdreg s24  }
0xaf: {  	[dreg:$0x3] =	wrdreg s2  }
0xb0: {  	[dreg:$0x4] =	wrdreg $0x9  }
0xb1: {  	_ =	task.clear_ibuf [dreg:s7], $0x5FFFF;
	_ =	strace $0x90000046  }
0xb2: {  	s29 =	simm.s32 $0x9;
	_ =	strace $0x80000048  }
0xb3: {  	_ =	swait.ge [sflag:s29], $0x1  }
0xb4: {  	[sflag:s29] =	ssyncadd.s32 $0xFFFFFFFF  }
0xb5: {  	_ =	strace $0x90000048  }
0xb6: {  	_ =	sfence  }
0xb7: {  	s30 =	sld [smem:$0x0];
	_ =	sdelay $0x2  }
0xb8: {  	s31 =	sshll.u32 s1, $0xD;
	s1 =	sshrl.u32 s1, $0x2  }
0xb9: {  	s3 =	sand.u32 $0x4000, s31;
	s1 =	sadd.s32 s1, s30  }
0xba: {  	s0 =	sor.u32 s3, s0;
	s1 =	sshll.u32 s1, $0x11  }
0xbb: {  	s0 =	sor.u32 s1, s0  }
0xbc: {  	s0 =	sadd.s32 $0x8F2B, s0  }
0xbd: {  	[sflag:s0] =	ssyncadd.remote.s32 $0x1  }
0xbe: {  	_ =	sfence.sel $0xFFFF  }
0xbf: {  	[dreg:$0x0] =	wrdreg $0xFFFFFFFF;
	(pc) =	sbr.abs _section_cstart, $3  }
0xc0: {  	[dreg:$0x1] =	wrdreg $0xFFFFFFFF  }
0xc1: {  	_ =	task.clear_ibuf [dreg:s7], $0x2FFFF;
	_ =	strace $0x9FFFFFFF  }
0xc2: {  	(tm) =	ssettm $0x7FFFFFFF  }
0xc3: {  	_ =	shalt  }
tec
execute0_lowered:
.L_overlay_start_1:
0x0: {  	(tag) =	ssettag $0x1  }
0x1: {  	s0 =	srdreg.scid;
	s1 =	rddreg [dreg:$0x0]  }
0x2: {  	s10 =	stileid.u32;
	s4 =	rddreg [dreg:$0x1];
	s28 =	simm.s32 $0x1  }
0x3: {  	s0 =	sand.u32 $0x1, s0;
	s2 =	sshll.u32 s10, $0x1;
	s22 =	smul.u32 $0x3200, s10  }
0x4: {  	s5 =	sor.u32 s0, s2;
	s6 =	ssub.s32 $0x2, s0;
	s0 =	smul.u32 $0x1900, s0  }
0x5: {  	s30 =	simm.s32 $0x7900;
	s2 =	simm.s32 $0x0;
	s3 =	smul.u32 $0x1900, s5  }
0x6: {  	s31 =	simm.s32 $0x0;
	[smem:$0x7FF] =	sst s2;
	s9 =	smul.u32 $0x64000, s5  }
0x7: {  	s8 =	sshrl.u32 s6, $0x1;
	s5 =	smul.u32 $0xC800, s5;
	_ =	strace $0x80000047  }
0x8: {  	s19 =	ssub.s32 s6, s8;
	s0 =	sadd.s32 s0, s22;
	s22 =	simm.s32 $0x80  }
0x9: {  	s3 =	sshrl.u32 s3, $0x3;
	s21 =	sshrl.u32 s9, $0x3;
	s5 =	sadd.s32 s4, s5  }
0xa: {  	s0 =	sshll.u32 s0, $0x3;
	s15 =	smax.u32 s19, $0x1;
	s7 =	sadd.s32 s3, s1  }
0xb: {  	s3 =	sadd.s32 $0x6C00, s1;
	s6 =	sadd.s32 s4, s21;
	s23 =	sadd.s32 $0x400, s5  }
0xc: {  	s0 =	sadd.s32 s4, s0;
	s21 =	simm.s32 $0x3;
	s1 =	simm.s32 $0x9900  }
0xd: {  	s20 =	sadd.s32 $0x800, s7;
	[dreg:$0x4] =	wrdreg s23;
	s24 =	sadd.s32 $0x800, s6  }
0xe: {  	s25 =	sadd.s32 $0xC00, s6;
	s26 =	sadd.s32 $0x1000, s6;
	s29 =	sadd.s32 $0xB400, s6  }
0xf: {  	s11 =	sadd.s32 $0xB800, s6;
	s12 =	sadd.s32 $0xBC00, s6;
	[dreg:$0x3] =	wrdreg s20  }
0x10: {  	s13 =	sadd.s32 $0xC000, s6;
	s14 =	sadd.s32 $0xC400, s6;
	[dreg:$0x5] =	wrdreg s24  }
0x11: {  	s16 =	sadd.s32 $0x1C00, s0;
	s17 =	sadd.s32 $0x1800, s0;
	[dreg:$0x6] =	wrdreg s25  }
0x12: {  	s18 =	sadd.s32 $0x2400, s0;
	s19 =	sadd.s32 $0x2000, s0;
	[dreg:$0x7] =	wrdreg s26  }
0x13: {  	s23 =	simm.s32 $0x1900;
	[dreg:$0x8] =	wrdreg s29;
	s20 =	sadd.s32 $0x1400, s0  }
0x14: {  	s24 =	simm.s32 $0x3900;
	s26 =	simm.s32 $0x5900;
	s0 =	simm.s32 $0x2  }
.LBB2_1:
0x15: {  	s4 =	rddreg [dreg:$0x3]  }
0x16: {  	[tilespmem:s2], [sflag:$0x3] =	stream.linear.gather [hbm4b:s4+s2], $0x1900, $0x38;
	[tilespmem:$0xB900] =	vst v63  }
0x17: {  	_ =	swait.ge [sflag:s21], $0x1900  }
0x18: {  	[sflag:s21] =	ssyncset.done $0x0  }
0x19: {  	[sflag:s21] =	ssyncadd.s32 $0xFFFFE700  }
0x1a: {  	[tilespmem:s23], [sflag:$0x1] =	stream.indirect.gather [hbm4b:s3+s22], $0x40, s2, s22, $0xb8;
	[tilespmem:$0xB900] =	vst v63  }
0x1b: {  	_ = 	snop  }
0x1c: {  	[tilespmem:s24], [sflag:$0x1] =	stream.indirect.gather [hbm4b:s3+s22], $0x40, s22, s22, $0xb8;
	[tilespmem:$0xB900] =	vst v63  }
0x1d: {  	s10 =	simm.s32 $0x100  }
0x1e: {  	[tilespmem:s26], [sflag:$0x1] =	stream.indirect.gather [hbm4b:s3+s22], $0x40, s10, s22, $0xb8;
	[tilespmem:$0xB900] =	vst v63  }
0x1f: {  	_ =	swait.ge [sflag:s28], $0x2000  }
0x20: {  	[sflag:s28] =	ssyncset.done $0x0  }
0x21: {  	[sflag:s28] =	ssyncadd.s32 $0xFFFFE000  }
0x22: {  	[hbm4b:s5+s2] =	stream.linear.scatter [tilespmem:s23], [sflag:$0x2], $0x2000, $0x38;
	[tilespmem:$0xB900] =	vst v63  }
0x23: {  	s25 =	simm.s32 $0x180  }
0x24: {  	[tilespmem:s30], [sflag:$0x1] =	stream.indirect.gather [hbm4b:s3+s22], $0x40, s25, s22, $0xb8;
	[tilespmem:$0xB900] =	vst v63  }
0x25: {  	_ =	swait.ge [sflag:s28], $0x2000  }
0x26: {  	[sflag:s28] =	ssyncset.done $0x0  }
0x27: {  	s6 =	rddreg [dreg:$0x4];
	[sflag:s28] =	ssyncadd.s32 $0xFFFFE000  }
0x28: {  	[hbm4b:s6+s2] =	stream.linear.scatter [tilespmem:s24], [sflag:$0x2], $0x2000, $0x38;
	[tilespmem:$0xB900] =	vst v63  }
0x29: {  	s7 =	simm.s32 $0x200  }
0x2a: {  	[tilespmem:s1], [sflag:$0x1] =	stream.indirect.gather [hbm4b:s3+s22], $0x40, s7, s22, $0xb8;
	[tilespmem:$0xB900] =	vst v63  }
0x2b: {  	_ =	swait.ge [sflag:s28], $0x2000  }
0x2c: {  	[sflag:s28] =	ssyncset.done $0x0  }
0x2d: {  	s8 =	rddreg [dreg:$0x5];
	[sflag:s28] =	ssyncadd.s32 $0xFFFFE000  }
0x2e: {  	[hbm4b:s8+s2] =	stream.linear.scatter [tilespmem:s26], [sflag:$0x2], $0x2000, $0x38;
	[tilespmem:$0xB900] =	vst v63  }
0x2f: {  	_ =	swait.ge [sflag:s0], $0x2000  }
0x30: {  	[sflag:s0] =	ssyncset.done $0x0  }
0x31: {  	s9 =	simm.s32 $0x280;
	[sflag:s0] =	ssyncadd.s32 $0xFFFFE000  }
0x32: {  	[tilespmem:s23], [sflag:$0x1] =	stream.indirect.gather [hbm4b:s3+s22], $0x40, s9, s22, $0xb8;
	[tilespmem:$0xB900] =	vst v63  }
0x33: {  	_ =	swait.ge [sflag:s28], $0x2000  }
0x34: {  	[sflag:s28] =	ssyncset.done $0x0  }
0x35: {  	s10 =	rddreg [dreg:$0x6];
	[sflag:s28] =	ssyncadd.s32 $0xFFFFE000  }
0x36: {  	[hbm4b:s10+s2] =	stream.linear.scatter [tilespmem:s30], [sflag:$0x2], $0x2000, $0x38;
	[tilespmem:$0xB900] =	vst v63  }
0x37: {  	_ =	swait.ge [sflag:s0], $0x2000  }
0x38: {  	[sflag:s0] =	ssyncset.done $0x0  }
0x39: {  	s25 =	simm.s32 $0x300;
	[sflag:s0] =	ssyncadd.s32 $0xFFFFE000  }
0x3a: {  	[tilespmem:s24], [sflag:$0x1] =	stream.indirect.gather [hbm4b:s3+s22], $0x40, s25, s22, $0xb8;
	[tilespmem:$0xB900] =	vst v63  }
0x3b: {  	_ =	swait.ge [sflag:s28], $0x2000  }
0x3c: {  	[sflag:s28] =	ssyncset.done $0x0  }
0x3d: {  	s6 =	rddreg [dreg:$0x7];
	[sflag:s28] =	ssyncadd.s32 $0xFFFFE000  }
0x3e: {  	[hbm4b:s6+s2] =	stream.linear.scatter [tilespmem:s1], [sflag:$0x2], $0x2000, $0x38;
	[tilespmem:$0xB900] =	vst v63  }
0x3f: {  	_ =	swait.ge [sflag:s0], $0x2000  }
0x40: {  	[sflag:s0] =	ssyncset.done $0x0  }
0x41: {  	s7 =	simm.s32 $0x380;
	[sflag:s0] =	ssyncadd.s32 $0xFFFFE000  }
0x42: {  	[tilespmem:s26], [sflag:$0x1] =	stream.indirect.gather [hbm4b:s3+s22], $0x40, s7, s22, $0xb8;
	[tilespmem:$0xB900] =	vst v63  }
0x43: {  	_ =	swait.ge [sflag:s28], $0x2000  }
0x44: {  	[sflag:s28] =	ssyncset.done $0x0  }
0x45: {  	[sflag:s28] =	ssyncadd.s32 $0xFFFFE000  }
0x46: {  	[hbm4b:s20+s2] =	stream.linear.scatter [tilespmem:s23], [sflag:$0x2], $0x2000, $0x38;
	[tilespmem:$0xB900] =	vst v63  }
0x47: {  	_ =	swait.ge [sflag:s0], $0x2000  }
0x48: {  	[sflag:s0] =	ssyncset.done $0x0  }
0x49: {  	s8 =	simm.s32 $0x400;
	[sflag:s0] =	ssyncadd.s32 $0xFFFFE000  }
0x4a: {  	[tilespmem:s30], [sflag:$0x1] =	stream.indirect.gather [hbm4b:s3+s22], $0x40, s8, s22, $0xb8;
	[tilespmem:$0xB900] =	vst v63  }
0x4b: {  	_ =	swait.ge [sflag:s28], $0x2000  }
0x4c: {  	[sflag:s28] =	ssyncset.done $0x0  }
0x4d: {  	[sflag:s28] =	ssyncadd.s32 $0xFFFFE000  }
0x4e: {  	[hbm4b:s17+s2] =	stream.linear.scatter [tilespmem:s24], [sflag:$0x2], $0x2000, $0x38;
	[tilespmem:$0xB900] =	vst v63  }
0x4f: {  	_ =	swait.ge [sflag:s0], $0x2000  }
0x50: {  	[sflag:s0] =	ssyncset.done $0x0  }
0x51: {  	s9 =	simm.s32 $0x480;
	[sflag:s0] =	ssyncadd.s32 $0xFFFFE000  }
0x52: {  	[tilespmem:s1], [sflag:$0x1] =	stream.indirect.gather [hbm4b:s3+s22], $0x40, s9, s22, $0xb8;
	[tilespmem:$0xB900] =	vst v63  }
0x53: {  	_ =	swait.ge [sflag:s28], $0x2000  }
0x54: {  	[sflag:s28] =	ssyncset.done $0x0  }
0x55: {  	[sflag:s28] =	ssyncadd.s32 $0xFFFFE000  }
0x56: {  	[hbm4b:s16+s2] =	stream.linear.scatter [tilespmem:s26], [sflag:$0x2], $0x2000, $0x38;
	[tilespmem:$0xB900] =	vst v63  }
0x57: {  	_ =	swait.ge [sflag:s0], $0x2000  }
0x58: {  	[sflag:s0] =	ssyncset.done $0x0  }
0x59: {  	s10 =	simm.s32 $0x500;
	[sflag:s0] =	ssyncadd.s32 $0xFFFFE000  }
0x5a: {  	[tilespmem:s23], [sflag:$0x1] =	stream.indirect.gather [hbm4b:s3+s22], $0x40, s10, s22, $0xb8;
	[tilespmem:$0xB900] =	vst v63  }
0x5b: {  	_ =	swait.ge [sflag:s28], $0x2000  }
0x5c: {  	[sflag:s28] =	ssyncset.done $0x0  }
0x5d: {  	[sflag:s28] =	ssyncadd.s32 $0xFFFFE000  }
0x5e: {  	[hbm4b:s19+s2] =	stream.linear.scatter [tilespmem:s30], [sflag:$0x2], $0x2000, $0x38;
	[tilespmem:$0xB900] =	vst v63  }
0x5f: {  	_ =	swait.ge [sflag:s0], $0x2000  }
0x60: {  	[sflag:s0] =	ssyncset.done $0x0  }
0x61: {  	s25 =	simm.s32 $0x580;
	[sflag:s0] =	ssyncadd.s32 $0xFFFFE000  }
0x62: {  	[tilespmem:s24], [sflag:$0x1] =	stream.indirect.gather [hbm4b:s3+s22], $0x40, s25, s22, $0xb8;
	[tilespmem:$0xB900] =	vst v63  }
0x63: {  	_ =	swait.ge [sflag:s28], $0x2000  }
0x64: {  	[sflag:s28] =	ssyncset.done $0x0  }
0x65: {  	s29 =	sadd.s32 $0x1400, s19;
	[sflag:s28] =	ssyncadd.s32 $0xFFFFE000  }
0x66: {  	[hbm4b:s18+s2] =	stream.linear.scatter [tilespmem:s1], [sflag:$0x2], $0x2000, $0x38;
	[tilespmem:$0xB900] =	vst v63  }
0x67: {  	s4 =	sadd.s32 $0x1400, s20;
	s6 =	sadd.s32 $0x1400, s17;
	_ =	swait.ge [sflag:s0], $0x2000  }
0x68: {  	s7 =	sadd.s32 $0x1400, s18;
	s8 =	sadd.s32 $0x1400, s16;
	[sflag:s0] =	ssyncset.done $0x0  }
0x69: {  	s9 =	simm.s32 $0x600;
	s25 =	simm.s32 $0xA00;
	[sflag:s0] =	ssyncadd.s32 $0xFFFFE000  }
.LBB2_2:
0x6a: {  	[tilespmem:s26], [sflag:$0x1] =	stream.indirect.gather [hbm4b:s3+s22], $0x40, s9, s22, $0xb8;
	[tilespmem:$0xB900] =	vst v63  }
0x6b: {  	s9 =	smov.u32 s25  }
0x6c: {  	p0 =	sne.s32 s25, $0x4600;
	s25 =	sadd.s32 $0xA00, s25;
	_ =	swait.ge [sflag:s28], $0x2000  }
0x6d: {  	[sflag:s28] =	ssyncset.done $0x0  }
0x6e: {  	[sflag:s28] =	ssyncadd.s32 $0xFFFFE000  }
0x6f: {  	[hbm4b:s4+s2] =	stream.linear.scatter [tilespmem:s23], [sflag:$0x2], $0x2000, $0x38;
	[tilespmem:$0xB900] =	vst v63  }
0x70: {  	_ =	swait.ge [sflag:s0], $0x2000  }
0x71: {  	s9 =	sshra.s32 s9, $0x2;
	[sflag:s0] =	ssyncset.done $0x0  }
0x72: {  	s10 =	sadd.s32 $0x400, s9;
	[sflag:s0] =	ssyncadd.s32 $0xFFFFE000  }
0x73: {  	[tilespmem:s30], [sflag:$0x1] =	stream.indirect.gather [hbm4b:s3+s22], $0x40, s10, s22, $0xb8;
	[tilespmem:$0xB900] =	vst v63  }
0x74: {  	_ =	swait.ge [sflag:s28], $0x2000  }
0x75: {  	[sflag:s28] =	ssyncset.done $0x0  }
0x76: {  	[sflag:s28] =	ssyncadd.s32 $0xFFFFE000  }
0x77: {  	[hbm4b:s6+s2] =	stream.linear.scatter [tilespmem:s24], [sflag:$0x2], $0x2000, $0x38;
	[tilespmem:$0xB900] =	vst v63  }
0x78: {  	_ =	swait.ge [sflag:s0], $0x2000  }
0x79: {  	[sflag:s0] =	ssyncset.done $0x0  }
0x7a: {  	s10 =	sadd.s32 $0x480, s9;
	[sflag:s0] =	ssyncadd.s32 $0xFFFFE000  }
0x7b: {  	[tilespmem:s1], [sflag:$0x1] =	stream.indirect.gather [hbm4b:s3+s22], $0x40, s10, s22, $0xb8;
	[tilespmem:$0xB900] =	vst v63  }
0x7c: {  	_ =	swait.ge [sflag:s28], $0x2000  }
0x7d: {  	[sflag:s28] =	ssyncset.done $0x0  }
0x7e: {  	[sflag:s28] =	ssyncadd.s32 $0xFFFFE000  }
0x7f: {  	[hbm4b:s8+s2] =	stream.linear.scatter [tilespmem:s26], [sflag:$0x2], $0x2000, $0x38;
	[tilespmem:$0xB900] =	vst v63  }
0x80: {  	_ =	swait.ge [sflag:s0], $0x2000  }
0x81: {  	[sflag:s0] =	ssyncset.done $0x0  }
0x82: {  	s10 =	sadd.s32 $0x500, s9;
	[sflag:s0] =	ssyncadd.s32 $0xFFFFE000  }
0x83: {  	[tilespmem:s23], [sflag:$0x1] =	stream.indirect.gather [hbm4b:s3+s22], $0x40, s10, s22, $0xb8;
	[tilespmem:$0xB900] =	vst v63  }
0x84: {  	_ =	swait.ge [sflag:s28], $0x2000  }
0x85: {  	[sflag:s28] =	ssyncset.done $0x0  }
0x86: {  	[sflag:s28] =	ssyncadd.s32 $0xFFFFE000  }
0x87: {  	[hbm4b:s29+s2] =	stream.linear.scatter [tilespmem:s30], [sflag:$0x2], $0x2000, $0x38;
	[tilespmem:$0xB900] =	vst v63  }
0x88: {  	_ =	swait.ge [sflag:s0], $0x2000  }
0x89: {  	[sflag:s0] =	ssyncset.done $0x0  }
0x8a: {  	s10 =	sadd.s32 $0x580, s9;
	[sflag:s0] =	ssyncadd.s32 $0xFFFFE000  }
0x8b: {  	[tilespmem:s24], [sflag:$0x1] =	stream.indirect.gather [hbm4b:s3+s22], $0x40, s10, s22, $0xb8;
	[tilespmem:$0xB900] =	vst v63  }
0x8c: {  	_ =	swait.ge [sflag:s28], $0x2000  }
0x8d: {  	[sflag:s28] =	ssyncset.done $0x0  }
.Ltmp0:
0x8e: {  	[sflag:s28] =	ssyncadd.s32 $0xFFFFE000;
	(pc) =	sbr.rel @p0 .LBB2_2-.Ltmp0, $4  }
0x8f: {  	[hbm4b:s7+s2] =	stream.linear.scatter [tilespmem:s1], [sflag:$0x2], $0x2000, $0x38;
	[tilespmem:$0xB900] =	vst v63  }
0x90: {  	s4 =	sadd.s32 $0x1400, s4;
	s29 =	sadd.s32 $0x1400, s29;
	_ =	swait.ge [sflag:s0], $0x2000  }
0x91: {  	s6 =	sadd.s32 $0x1400, s6;
	s7 =	sadd.s32 $0x1400, s7;
	[sflag:s0] =	ssyncset.done $0x0  }
0x92: {  	s8 =	sadd.s32 $0x1400, s8;
	s9 =	sadd.s32 $0x600, s9;
	[sflag:s0] =	ssyncadd.s32 $0xFFFFE000  }
0x93: {  	[tilespmem:s26], [sflag:$0x1] =	stream.indirect.gather [hbm4b:s3+s22], $0x40, s9, s22, $0xb8;
	[tilespmem:$0xB900] =	vst v63  }
0x94: {  	_ =	swait.ge [sflag:s28], $0x2000  }
0x95: {  	[sflag:s28] =	ssyncset.done $0x0  }
0x96: {  	s4 =	rddreg [dreg:$0x8];
	[sflag:s28] =	ssyncadd.s32 $0xFFFFE000  }
0x97: {  	[hbm4b:s4+s2] =	stream.linear.scatter [tilespmem:s23], [sflag:$0x2], $0x2000, $0x38;
	[tilespmem:$0xB900] =	vst v63  }
0x98: {  	_ =	swait.ge [sflag:s0], $0x2000  }
0x99: {  	[sflag:s0] =	ssyncset.done $0x0  }
0x9a: {  	s25 =	simm.s32 $0x1800;
	[sflag:s0] =	ssyncadd.s32 $0xFFFFE000  }
0x9b: {  	[tilespmem:s30], [sflag:$0x1] =	stream.indirect.gather [hbm4b:s3+s22], $0x40, s25, s22, $0xb8;
	[tilespmem:$0xB900] =	vst v63  }
0x9c: {  	_ =	swait.ge [sflag:s28], $0x2000  }
0x9d: {  	[sflag:s28] =	ssyncset.done $0x0  }
0x9e: {  	[sflag:s28] =	ssyncadd.s32 $0xFFFFE000  }
0x9f: {  	[hbm4b:s11+s2] =	stream.linear.scatter [tilespmem:s24], [sflag:$0x2], $0x2000, $0x38;
	[tilespmem:$0xB900] =	vst v63  }
0xa0: {  	_ =	swait.ge [sflag:s0], $0x2000  }
0xa1: {  	[sflag:s0] =	ssyncset.done $0x0  }
0xa2: {  	s29 =	simm.s32 $0x1880;
	[sflag:s0] =	ssyncadd.s32 $0xFFFFE000  }
0xa3: {  	[tilespmem:s1], [sflag:$0x1] =	stream.indirect.gather [hbm4b:s3+s22], $0x40, s29, s22, $0xb8;
	[tilespmem:$0xB900] =	vst v63  }
0xa4: {  	_ =	swait.ge [sflag:s28], $0x2000  }
0xa5: {  	[sflag:s28] =	ssyncset.done $0x0  }
0xa6: {  	[sflag:s28] =	ssyncadd.s32 $0xFFFFE000  }
0xa7: {  	[hbm4b:s12+s2] =	stream.linear.scatter [tilespmem:s26], [sflag:$0x2], $0x2000, $0x38;
	[tilespmem:$0xB900] =	vst v63  }
0xa8: {  	_ =	swait.ge [sflag:s28], $0x2000  }
0xa9: {  	[sflag:s28] =	ssyncset.done $0x0  }
0xaa: {  	[sflag:s28] =	ssyncadd.s32 $0xFFFFE000  }
0xab: {  	[hbm4b:s13+s2] =	stream.linear.scatter [tilespmem:s30], [sflag:$0x2], $0x2000, $0x38;
	[tilespmem:$0xB900] =	vst v63  }
0xac: {  	_ =	swait.ge [sflag:s28], $0x2000  }
0xad: {  	[sflag:s28] =	ssyncset.done $0x0  }
0xae: {  	[sflag:s28] =	ssyncadd.s32 $0xFFFFE000  }
0xaf: {  	[hbm4b:s14+s2] =	stream.linear.scatter [tilespmem:s1], [sflag:$0x2], $0x2000, $0x38;
	[tilespmem:$0xB900] =	vst v63  }
0xb0: {  	_ =	swait.ge [sflag:s0], $0x2000  }
0xb1: {  	[sflag:s0] =	ssyncset.done $0x0  }
0xb2: {  	[sflag:s0] =	ssyncadd.s32 $0xFFFFE000  }
0xb3: {  	_ =	swait.ge [sflag:s0], $0x2000  }
0xb4: {  	[sflag:s0] =	ssyncset.done $0x0  }
0xb5: {  	[sflag:s0] =	ssyncadd.s32 $0xFFFFE000  }
0xb6: {  	_ =	swait.ge [sflag:s0], $0x2000  }
0xb7: {  	[sflag:s0] =	ssyncset.done $0x0  }
0xb8: {  	s31 =	sadd.s32 $0x1, s31;
	[sflag:s0] =	ssyncadd.s32 $0xFFFFE000  }
0xb9: {  	p0 =	sne.s32 s31, s15;
	_ =	swait.ge [sflag:s0], $0x2000  }
.Ltmp1:
0xba: {  	[sflag:s0] =	ssyncset.done $0x0;
	(pc) =	sbr.rel @p0 .LBB2_1-.Ltmp1, $4  }
0xbb: {  	[sflag:s0] =	ssyncadd.s32 $0xFFFFE000  }
0xbc: {  	_ =	swait.ge [sflag:s0], $0x2000  }
0xbd: {  	[sflag:s0] =	ssyncset.done $0x0  }
0xbe: {  	[sflag:s0] =	ssyncadd.s32 $0xFFFFE000  }
0xbf: {  	_ =	sfence.sel $0x180000  }
0xc0: {  	[bflag:$0x0] =	sbarrier.arrive $0xFFFF  }
0xc1: {  	_ =	strace $0x90000047  }
0xc2: {  	s0 =	stileid.u32;
	[bflag:$0x2] =	sbarrier.arrive $0xFFFF  }
0xc3: {  	p0 =	sne.s32 s0, $0x0;
	s0 =	rddreg [dreg:$0x2]  }
0xc4: {  	s0 =	sadd.s32 @!p0 $0x100000, s0  }
0xc5: {  	[sflag:s0] =	ssyncadd.tile.s32 @!p0 $0x1;
	_ =	shalt  }
.Lfunc_end2:
_tile_overlayer_lowered:
.L_overlay_start_2:
0xc6: {  	(tag) =	ssettag $0x2  }
0xc7: {  	s0 =	rddreg [dreg:$0x0];
	s2 =	stileid.u32  }
0xc8: {  	s1 =	rddreg [dreg:$0x1];
	p0 =	sne.s32 s2, $0x0  }
0xc9: {  	s3 =	rddreg [dreg:$0x2];
	[bflag:$0x3] =	sbarrier.arrive $0xFFFF;
	s2 =	simm.s32 @!p0 $0x1C03  }
0xca: {  	[timem:s3], [sflag:s2] =	dma.local @!p0 [hbm:s0], s1  }
0xcb: {  	s0 =	simm.s32 @!p0 $0x3  }
0xcc: {  	_ =	swait.ge @!p0 [sflag:s0], s1  }
0xcd: {  	s1 =	ssub.s32 @!p0 $0x0, s1;
	[sflag:s0] =	ssyncset.done @!p0 $0x0  }
0xce: {  	[sflag:s0] =	ssyncadd.s32 @!p0 s1  }
0xcf: {  	[bflag:$0x3] =	sbarrier.arrive $0xFFFF  }
0xd0: {  	_ =	shalt  }

// kernel: sparse-core-data-format-call.cloned.1.call-start
scs
called_computation_lowered:
.L_overlay_start_0:
0x0: {  	s2 =	sld [smem:$0x3FD9]  }
0x1: {  	s3 =	sld [smem:$0x3FFE];
	_ =	sdelay $0x1  }
0x2: {  	s1 =	srdreg.scid  }
0x3: {  	s0 =	sand.u32 $0x1, s1  }
0x4: {  	s18 =	sshll.u32 s0, $0xA;
	s2 =	sadd.s32 s3, s2  }
0x5: {  	s2 =	sadd.s32 s2, s18  }
0x6: {  	[smem:$0x3FC6] =	sst s2  }
0x7: {  	_ = 	snop  }
0x8: {  	s2 =	sld [smem:$0x3FD0];
	(tm) =	ssettm $0x1  }
0x9: {  	s19 =	sld [smem:$0x3FFB];
	_ =	sdelay $0x3  }
0xa: {  	_ =	strace s19  }
0xb: {  	s3 =	sld [smem:$0x3FFC];
	_ =	sdelay $0x3  }
0xc: {  	_ =	strace s3  }
0xd: {  	s3 =	sld [smem:$0x3FFD];
	_ =	sdelay $0x3  }
0xe: {  	_ =	strace s3  }
0xf: {  	_ =	strace $0x8FFFFFFF  }
0x10: {  	s20 =	sld [smem:$0x3FDB];
	_ =	sdelay $0x1  }
0x11: {  	s4 =	simm.s32 $_scs_section_size  }
0x12: {  	s5 =	simm.s32 $_size__tile_overlayer_lowered;
	s6 =	simm.s32 $_tile_overlayer_lowered  }
0x13: {  	s23 =	simm.s32 $0x1BFF;
	s22 =	sshll.u32 s6, $0x1;
	s3 =	sadd.s32 s4, s20  }
0x14: {  	s7 =	simm.s32 $0x0;
	s21 =	sshll.u32 s5, $0x1;
	s5 =	sadd.s32 s22, s3  }
0x15: {  	[timem:s7], [sflag:s23] =	dma.local [hbm:s5], s21  }
0x16: {  	_ =	swait.ge [sflag:s23], s21  }
0x17: {  	s4 =	ssub.s32 $0x0, s21;
	[sflag:s23] =	ssyncset.done $0x0  }
0x18: {  	[sflag:s23] =	ssyncadd.s32 s4;
	_ =	sdelay $0x1  }
0x19: {  	s24 =	simm.s32 $0x1B8B  }
0x1a: {  	_ =	swait.ge [sflag:s24], $0x1  }
0x1b: {  	[sflag:s24] =	ssyncset.done $0x0  }
0x1c: {  	s26 =	simm.s32 $0x1B8E;
	s25 =	sld [smem:$0x3FFE];
	[sflag:s24] =	ssyncadd.s32 $0xFFFFFFFF  }
0x1d: {  	s27 =	simm.s32 $execute0_lowered;
	[smem:$0x3FD2] =	sst s26  }
0x1e: {  	s5 =	sshll.u32 s27, $0x1;
	_ =	strace $0x80000049;
	[dreg:$0x1] =	wrdreg $0xFFFFFFFF  }
0x1f: {  	s28 =	simm.s32 $_size_execute0_lowered;
	s3 =	sadd.s32 s3, s5;
	[dreg:$0x0] =	wrdreg $0x0  }
0x20: {  	s5 =	sshll.u32 s28, $0x1;
	[dreg:$0x2] =	wrdreg s3  }
0x21: {  	[dreg:$0x3] =	wrdreg s5  }
0x22: {  	[dreg:$0x4] =	wrdreg $0xC0  }
0x23: {  	_ =	task [dreg:s7], $0x5FFFF  }
0x24: {  	[dreg:$0x1] =	wrdreg $0xFFFFFFFF  }
0x25: {  	[dreg:$0x0] =	wrdreg $0x60  }
0x26: {  	[dreg:$0x2] =	wrdreg s25  }
0x27: {  	[dreg:$0x3] =	wrdreg s2  }
0x28: {  	[dreg:$0x4] =	wrdreg $0x9  }
0x29: {  	_ =	task.clear_ibuf [dreg:s7], $0x5FFFF;
	_ =	strace $0x90000049  }
0x2a: {  	s29 =	simm.s32 $0x9;
	_ =	strace $0x8000004B  }
0x2b: {  	_ =	swait.ge [sflag:s29], $0x1  }
0x2c: {  	[sflag:s29] =	ssyncadd.s32 $0xFFFFFFFF  }
0x2d: {  	_ =	strace $0x9000004B  }
0x2e: {  	_ =	sfence  }
0x2f: {  	s30 =	sld [smem:$0x0];
	_ =	sdelay $0x2  }
0x30: {  	s31 =	sshll.u32 s1, $0xD;
	s1 =	sshrl.u32 s1, $0x2  }
0x31: {  	s3 =	sand.u32 $0x4000, s31;
	s1 =	sadd.s32 s1, s30  }
0x32: {  	s0 =	sor.u32 s3, s0;
	s1 =	sshll.u32 s1, $0x11  }
0x33: {  	s0 =	sor.u32 s1, s0  }
0x34: {  	s0 =	sadd.s32 $0x8F2B, s0  }
0x35: {  	[sflag:s0] =	ssyncadd.remote.s32 $0x1  }
0x36: {  	_ =	sfence.sel $0xFFFF  }
0x37: {  	[dreg:$0x0] =	wrdreg $0xFFFFFFFF;
	(pc) =	sbr.abs _section_cstart, $3  }
0x38: {  	[dreg:$0x1] =	wrdreg $0xFFFFFFFF  }
0x39: {  	_ =	task.clear_ibuf [dreg:s7], $0x2FFFF;
	_ =	strace $0x9FFFFFFF  }
0x3a: {  	(tm) =	ssettm $0x7FFFFFFF  }
0x3b: {  	_ =	shalt  }
tec
execute0_lowered:
.L_overlay_start_1:
0x0: {  	(tag) =	ssettag $0x1  }
0x1: {  	s0 =	srdreg.scid  }
0x2: {  	s1 =	sshll.u32 s0, $0x4  }
0x3: {  	s4 =	rddreg [dreg:$0x0];
	s0 =	stileid.u32;
	s1 =	sand.u32 $0x10, s1  }
0x4: {  	s2 =	rddreg [dreg:$0x1];
	s7 =	simm.s32 $0x1;
	s1 =	sor.u32 s0, s1  }
0x5: {  	s8 =	simm.s32 $0x2;
	s11 =	simm.s32 $0x0;
	s3 =	sshll.u32 s1, $0x7  }
0x6: {  	s10 =	simm.s32 $0x0;
	s4 =	sadd.s32 $0x800, s4;
	s6 =	ssub.s32 $0x32000, s3  }
.Ltmp0:
0x7: {  	s1 =	rddreg [dreg:$0x2];
	s5 =	sand.u32 $0xF80, s6;
	(pc) =	sbr.rel .LBB1_1-.Ltmp0, $4  }
0x8: {  	_ =	strace $0x8000004A;
	s9 =	smov.u32 s3;
	p0 =	sne.s32 s5, $0x0  }
0x9: {  	s6 =	sshrl.u32 s6, $0xC;
	s5 =	simm.s32 $0x1;
	s7 =	simm.s32 @!p0 $0x0  }
0xa: {  	[sflag:s5] =	ssyncpa.u1 $0x0;
	p0 =	por $0x0, $0x0;
	s6 =	sadd.s32 s7, s6  }
0xb: {  	[sflag:s8] =	ssyncpa.u1 $0x0;
	s8 =	simm.s32 $0x190000;
	s7 =	sadd.s32 $0x1, s6  }
.LBB1_4:
0xc: {  	s14 =	sshll.u32 s11, $0x3  }
0xd: {  	s30 =	sand.u32 $0x7F, s11;
	s15 =	sand.u32 $0xFFFFFC00, s14  }
0xe: {  	s11 =	sor.u32 s30, s15  }
0xf: {  	s15 =	smulhi.u32 $0x51EB851F, s11  }
0x10: {  	s14 =	smulhi.u32 $0x51EB851F, s14  }
0x11: {  	s15 =	sshrl.u32 s15, $0x10  }
0x12: {  	s14 =	sshrl.u32 s14, $0x10;
	s15 =	smul.u32 $0x32000, s15  }
0x13: {  	s14 =	sand.u32 $0x3F, s14  }
0x14: {  	s14 =	smul.u32 $0x6400, s14;
	s11 =	ssub.s32 s11, s15  }
0x15: {  	[tilespmem:s13+$0x810 ss:$0x81] =	vst.msk $0xffff, v2;
	s15 =	sand.u32 $0x7, s11  }
0x16: {  	[tilespmem:s13+$0x1020 ss:$0x81] =	vst.msk $0xffff, v0;
	s14 =	sadd.s32 s2, s14;
	s11 =	sshrl.u32 s11, $0x3;
	s15 =	sshll.u32 s15, $0x12  }
0x17: {  	[tilespmem:s13+$0x0 ss:$0x81] =	vst.msk $0xffff, v1;
	s11 =	sadd.s32 s11, s14;
	s31 =	sor.u32 $0x400, s15  }
0x18: {  	[hbm4b:s11+s31] =	stream.strided.scatter [tilespmem:s12], [sflag:$0x2], $0x2000, s8, s31, $0x20;
	[tilespmem:$0x8080] =	vst v63  }
.LBB1_5:
0x19: {  	s13 =	sadd.s32 $0x1000, s9  }
0x1a: {  	p2 =	sgt.s32 s13, $0x31FFF  }
0x1b: {  	s13 =	smov.u32 @p2 s3;
	p2 =	sne.s32 s10, s7  }
.Ltmp1:
0x1c: {  	p1 =	slt.u32 s10, $0x2;
	(pc) =	sbr.rel @!p2 .LBB1_6-.Ltmp1, $4  }
0x1d: {  	s12 =	simm.s32 @!p1 $0x2  }
0x1e: {  	s14 =	sadd.s32 $0x1, s10;
	_ =	swait.ge @!p1 [sflag:s12], $0x2000  }
0x1f: {  	s11 =	smov.u32 s9;
	p0 =	por !p0, !p0;
	[sflag:s12] =	ssyncset.done @!p1 $0x0  }
0x20: {  	s10 =	smov.u32 s14;
	s9 =	smov.u32 s13;
	[sflag:s12] =	ssyncadd.s32 @!p1 $0xFFFFE000  }
.LBB1_1:
0x21: {  	p1 =	sge.u32 s10, s6  }
0x22: {  	s12 =	sand.u32 @!p1 $0x1FFFFFF, s9  }
0x23: {  	s13 =	smulhi.u32 @!p1 $0x147AE15, s12;
	_ =	sdelay $0x1  }
0x24: {  	s13 =	sshrl.u32 @!p1 s13, $0xA  }
0x25: {  	s13 =	smul.u32 @!p1 $0x32000, s13;
	_ =	sdelay $0x1  }
0x26: {  	s31 =	sadd.s32 $0xFFFFFFFF, s10;
	s14 =	sxor.u32 @!p1 $0xFFFFFFFF, s10;
	s12 =	ssub.s32 @!p1 s12, s13  }
0x27: {  	s15 =	simm.s32 @!p1 $0x80;
	s14 =	sshll.u32 @!p1 s14, $0xD;
	s12 =	sshll.u32 @!p1 s12, $0x4  }
0x28: {  	s13 =	sand.u32 @!p1 $0x2000, s14;
	s14 =	simm.s32 @!p1 $0x40;
	s12 =	sadd.s32 @!p1 s4, s12  }
0x29: {  	[tilespmem:s13], [sflag:$0x1] =	stream.strided.gather @!p1 [hbm4b:s12+s14], $0x2000, s15, s14, $0x38;
	[tilespmem:$0x8080] =	vst v63  }
0x2a: {  	p1 =	sge.u32 s31, s6  }
.Ltmp2:
0x2b: {  	_ = 	snop;
	(pc) =	sbr.rel @p1 .LBB1_5-.Ltmp2, $1  }
0x2c: {  	_ =	sdelay $0x3  }
0x2d: {  	s12 =	simm.s32 $0x1  }
0x2e: {  	_ =	swait.ge [sflag:s5], $0x2000;
	s12 =	simm.s32 @!p0 $0x0  }
0x2f: {  	[sflag:s5] =	ssyncset.done $0x0;
	s13 =	sshll.u32 s12, $0xD  }
0x30: {  	[sflag:s5] =	ssyncadd.s32 $0xFFFFE000;
	s16 =	sor.u32 $0x20, s13  }
0x31: {  	s12 =	smul.u32 $0x8100, s12;
	v3 =	vld [tilespmem:s16+$0x10]  }
0x32: {  	s30 =	sand.u32 $0x1, s10;
	v2 =	vld [tilespmem:s16+$0xFFFFFFF0]  }
0x33: {  	s13 =	smul.u32 $0x8100, s30;
	s12 =	sshrl.u32 s12, $0x2;
	v0 =	vld [tilespmem:s16+$0x0]  }
0x34: {  	v1 =	vld [tilespmem:s16+$0xFFFFFFE0];
	s14 =	sor.u32 $0x4000, s12  }
0x35: {  	s31 =	sshrl.u32 s13, $0x2;
	s13 =	sadd.s32 $0x0, s14  }
0x36: {  	s15 =	simm.s32 $0x4;
	s16 =	sadd.s32 $0x40, s16;
	s12 =	sor.u32 $0x4000, s31;
	[tilespmem:s13+$0x1830 ss:$0x81] =	vst.msk $0xffff, v3  }
.LBB1_3:
0x37: {  	v3 =	vld [tilespmem:s16+$0x10];
	p1 =	sne.s32 s15, $0x1FC;
	[tilespmem:s13+$0x810 ss:$0x81] =	vst.msk $0xffff, v2;
	s17 =	smov.u32 s15;
	s15 =	sadd.s32 $0x4, s15  }
.Ltmp3:
0x38: {  	v2 =	vld [tilespmem:s16+$0xFFFFFFF0];
	[tilespmem:s13+$0x1020 ss:$0x81] =	vst.msk $0xffff, v0;
	(pc) =	sbr.rel @p1 .LBB1_3-.Ltmp3, $4  }
0x39: {  	v0 =	vld [tilespmem:s16+$0x0];
	[tilespmem:s13+$0x0 ss:$0x81] =	vst.msk $0xffff, v1  }
0x3a: {  	s13 =	sshra.s32 s17, $0x2;
	v1 =	vld [tilespmem:s16+$0xFFFFFFE0]  }
0x3b: {  	s13 =	sadd.s32 s13, s14  }
0x3c: {  	s16 =	sadd.s32 $0x40, s16;
	[tilespmem:s13+$0x1830 ss:$0x81] =	vst.msk $0xffff, v3  }
.Ltmp4:
0x3d: {  	_ = 	snop;
	(pc) =	sbr.rel .LBB1_4-.Ltmp4, $1  }
0x3e: {  	_ =	sdelay $0x3  }
.LBB1_6:
0x3f: {  	_ =	sfence.sel $0x180000  }
0x40: {  	s2 =	simm.s32 $0x1;
	[bflag:$0x0] =	sbarrier.arrive $0xFFFF  }
0x41: {  	s31 =	simm.s32 $0x2;
	[sflag:s2] =	ssyncpa.u1 $0x1  }
0x42: {  	[sflag:s31] =	ssyncpa.u1 $0x1  }
0x43: {  	p0 =	sne.s32 s0, $0x0;
	_ =	strace $0x9000004A  }
0x44: {  	s0 =	sadd.s32 @!p0 $0x100000, s1;
	[bflag:$0x2] =	sbarrier.arrive $0xFFFF  }
0x45: {  	[sflag:s0] =	ssyncadd.tile.s32 @!p0 $0x1;
	_ =	shalt  }
.Lfunc_end1:
_tile_overlayer_lowered:
.L_overlay_start_2:
0x46: {  	(tag) =	ssettag $0x2  }
0x47: {  	s0 =	rddreg [dreg:$0x0];
	s2 =	stileid.u32  }
0x48: {  	s1 =	rddreg [dreg:$0x1];
	p0 =	sne.s32 s2, $0x0  }
0x49: {  	s3 =	rddreg [dreg:$0x2];
	[bflag:$0x3] =	sbarrier.arrive $0xFFFF;
	s2 =	simm.s32 @!p0 $0x1C01  }
0x4a: {  	[timem:s3], [sflag:s2] =	dma.local @!p0 [hbm:s0], s1  }
0x4b: {  	s0 =	simm.s32 @!p0 $0x1  }
0x4c: {  	_ =	swait.ge @!p0 [sflag:s0], s1  }
0x4d: {  	s1 =	ssub.s32 @!p0 $0x0, s1;
	[sflag:s0] =	ssyncset.done @!p0 $0x0  }
0x4e: {  	[sflag:s0] =	ssyncadd.s32 @!p0 s1  }
0x4f: {  	[bflag:$0x3] =	sbarrier.arrive $0xFFFF  }
0x50: {  	_ =	shalt  }

</sc_bundles>
